<compile_context>
chip_gen: v7x
topology: tpu7x:2x2x1
jax: 0.10.2.dev20260603
libtpu: 0.0.44.dev20260713+nightly
codegen_flags: <defaults>
</compile_context>

<pallas_src>
import functools

import jax
import jax.numpy as jnp
from jax import lax
from jax.experimental import pallas as pl
from jax.experimental.pallas import tpu as pltpu
from jax.experimental.pallas import tpu_sc as plsc


def _proj_body(x_ref, w_ref, al_ref, ar_ref,
               feat_ref, el_ref, er_ref, elm_ref, erm_ref, bound_ref):
    i = pl.program_id(0)
    feat = jnp.dot(x_ref[...], w_ref[...], preferred_element_type=jnp.float32)
    feat_ref[...] = feat
    el = jnp.sum(feat * al_ref[...], axis=1, keepdims=True)
    er = jnp.sum(feat * ar_ref[...], axis=1, keepdims=True)
    el_ref[...] = el
    er_ref[...] = er
    bl = jnp.max(el)
    br = jnp.max(er)

    @pl.when(i == 0)
    def _():
        elm_ref[0, 0] = bl
        erm_ref[0, 0] = br

    @pl.when(i > 0)
    def _():
        elm_ref[0, 0] = jnp.maximum(elm_ref[0, 0], bl)
        erm_ref[0, 0] = jnp.maximum(erm_ref[0, 0], br)

    @pl.when(i == pl.num_programs(0) - 1)
    def _():
        m = elm_ref[0, 0] + erm_ref[0, 0]
        bound_ref[...] = jnp.full((1, _LANES), jnp.maximum(m, 0.2 * m),
                                  jnp.float32)


def _project(x, W, attn_l, attn_r):
    n, d_in = x.shape
    d_out = W.shape[1]
    bn = 2000
    nblk = n // bn
    smem_scalar = pl.BlockSpec(memory_space=pltpu.SMEM)
    return pl.pallas_call(
        _proj_body,
        grid=(nblk,),
        in_specs=[
            pl.BlockSpec((bn, d_in), lambda i: (i, 0)),
            pl.BlockSpec((d_in, d_out), lambda i: (0, 0)),
            pl.BlockSpec((1, d_out), lambda i: (0, 0)),
            pl.BlockSpec((1, d_out), lambda i: (0, 0)),
        ],
        out_specs=[
            pl.BlockSpec((bn, d_out), lambda i: (i, 0)),
            pl.BlockSpec((bn, 1), lambda i: (i, 0)),
            pl.BlockSpec((bn, 1), lambda i: (i, 0)),
            smem_scalar,
            smem_scalar,
            pl.BlockSpec((1, _LANES), lambda i: (0, 0)),
        ],
        out_shape=[
            jax.ShapeDtypeStruct((n, d_out), jnp.float32),
            jax.ShapeDtypeStruct((n, 1), jnp.float32),
            jax.ShapeDtypeStruct((n, 1), jnp.float32),
            jax.ShapeDtypeStruct((1, 1), jnp.float32),
            jax.ShapeDtypeStruct((1, 1), jnp.float32),
            jax.ShapeDtypeStruct((1, _LANES), jnp.float32),
        ],
    )(x, W, attn_l, attn_r)


_CHUNK = 80
_LANES = 16


def _make_sc_edge_kernel(n, d, e, num_cores, num_subcores):
    tiles = num_cores * num_subcores
    ept = e // tiles
    nchunk = ept // _CHUNK
    assert ept % _CHUNK == 0 and e % tiles == 0
    slab = 1000
    nslab = n // slab
    assert n % slab == 0 and slab % 8 == 0
    mesh = plsc.VectorSubcoreMesh(
        core_axis_name="c", subcore_axis_name="s",
        num_cores=num_cores, num_subcores=num_subcores)

    @functools.partial(
        pl.kernel,
        out_type=[
            jax.ShapeDtypeStruct((num_cores, n, d), jnp.float32),
            jax.ShapeDtypeStruct((num_cores, n), jnp.float32),
        ],
        mesh=mesh,
        scratch_types=[
            pltpu.VMEM_SHARED((n, d), jnp.float32),
            pltpu.VMEM_SHARED((n,), jnp.float32),
            pltpu.VMEM((n,), jnp.float32),
            pltpu.VMEM((n,), jnp.float32),
            pltpu.VMEM((_LANES,), jnp.float32),
            pltpu.VMEM((3, _CHUNK), jnp.int32),
            pltpu.VMEM((3, _CHUNK), jnp.int32),
            pltpu.VMEM((2, _CHUNK), jnp.int32),
            pltpu.VMEM((2, _CHUNK), jnp.float32),
            pltpu.VMEM((2, _CHUNK, d), jnp.float32),
            pltpu.SemaphoreType.DMA((2,)),
            pltpu.SemaphoreType.DMA((2,)),
            pltpu.SemaphoreType.DMA((3,)),
            pltpu.SemaphoreType.DMA((2,)),
        ],
        compiler_params=pltpu.CompilerParams(needs_layout_passes=False),
    )
    def sc_edge_kernel(feat_hbm, el_hbm, er_hbm, eidx_hbm, bound_hbm,
                       zrows_hbm, zvec_hbm,
                       acc_out, den_out,
                       acc_sh, den_sh, el_v, er_v, bound_v,
                       src_c, dst_c, dst_cw, w_v, rows2,
                       gsem, ssem, isem, wsem):
        cid = lax.axis_index("c")
        sid = lax.axis_index("s")
        wid = cid * num_subcores + sid

        pltpu.sync_copy(el_hbm, el_v)
        pltpu.sync_copy(er_hbm, er_v)
        pltpu.sync_copy(bound_hbm.at[0], bound_v)

        @pl.when(sid < nslab)
        def _():
            pltpu.sync_copy(zrows_hbm.at[pl.ds(sid * slab, slab)],
                            acc_sh.at[pl.ds(sid * slab, slab)])

        @pl.when(sid == 0)
        def _():
            pltpu.sync_copy(zvec_hbm, den_sh)

        plsc.subcore_barrier()

        bvec = bound_v[...]

        def fetch_idx(ci, b3):
            pltpu.async_copy(eidx_hbm.at[wid, ci], src_c.at[b3], isem.at[b3])
            pltpu.async_copy(eidx_hbm.at[tiles + wid, ci], dst_c.at[b3], isem.at[b3])

        def wait_idx(ci, b3):
            pltpu.make_async_copy(eidx_hbm.at[wid, ci], src_c.at[b3],
                                  isem.at[b3]).wait()
            pltpu.make_async_copy(eidx_hbm.at[tiles + wid, ci], dst_c.at[b3],
                                  isem.at[b3]).wait()

        def gather(ci, b3, buf):
            pltpu.async_copy(feat_hbm.at[src_c.at[b3]], rows2.at[buf],
                             gsem.at[buf])

        def scat_wait(b3, buf):
            pltpu.make_async_copy(rows2.at[buf], acc_sh.at[dst_c.at[b3]],
                                  ssem.at[buf]).wait()

        def wscat_wait(buf):
            pltpu.make_async_copy(w_v.at[buf], den_sh.at[dst_cw.at[buf]],
                                  wsem.at[buf]).wait()

        pltpu.sync_copy(eidx_hbm.at[wid, 0], src_c.at[0])
        pltpu.sync_copy(eidx_hbm.at[tiles + wid, 0], dst_c.at[0])
        gather(0, 0, 0)

        @pl.when(jnp.int32(nchunk) > 1)
        def _():
            fetch_idx(1, 1)

        def chunk_body(ci, carry):
            cur = lax.rem(ci, 2)
            nxt = lax.rem(ci + 1, 2)
            i3 = lax.rem(ci, 3)
            n3 = lax.rem(ci + 1, 3)
            f3 = lax.rem(ci + 2, 3)

            @pl.when(ci >= 1)
            def _():
                scat_wait(lax.rem(ci - 1, 3), nxt)

            @pl.when(ci + 1 < nchunk)
            def _():
                wait_idx(ci + 1, n3)
                gather(ci + 1, n3, nxt)

            @pl.when(ci + 2 < nchunk)
            def _():
                fetch_idx(ci + 2, f3)

            @pl.when(ci >= 2)
            def _():
                wscat_wait(cur)

            for g in range(_CHUNK // _LANES):
                sl = pl.ds(g * _LANES, _LANES)
                dv = dst_c[i3, sl]
                ee = (plsc.load_gather(el_v, [src_c[i3, sl]])
                      + plsc.load_gather(er_v, [dv]))
                ee = jnp.maximum(ee, 0.2 * ee)
                w_v[cur, sl] = jnp.exp(ee - bvec)
                dst_cw[cur, sl] = dv
            pltpu.async_copy(w_v.at[cur], den_sh.at[dst_cw.at[cur]],
                             wsem.at[cur], add=True)

            pltpu.make_async_copy(feat_hbm.at[src_c.at[i3]], rows2.at[cur],
                                  gsem.at[cur]).wait()

            @plsc.parallel_loop(0, _CHUNK, step=1, unroll=8)
            def _(ei):
                wb = plsc.load_gather(
                    w_v.at[cur], [jnp.full((_LANES,), 0, jnp.int32) + ei])
                for db in range(d // _LANES):
                    sl = pl.ds(db * _LANES, _LANES)
                    rows2[cur, ei, sl] = rows2[cur, ei, sl] * wb
            pltpu.async_copy(rows2.at[cur], acc_sh.at[dst_c.at[i3]],
                             ssem.at[cur], add=True)
            return carry

        lax.fori_loop(0, nchunk, chunk_body, 0)
        scat_wait(lax.rem(nchunk - 1, 3), lax.rem(nchunk - 1, 2))
        wscat_wait(lax.rem(nchunk - 1, 2))

        @pl.when(jnp.int32(nchunk) >= 2)
        def _():
            wscat_wait(lax.rem(nchunk - 2, 2))

        plsc.subcore_barrier()

        @pl.when(sid < nslab)
        def _():
            pltpu.sync_copy(acc_sh.at[pl.ds(sid * slab, slab)],
                            acc_out.at[cid, pl.ds(sid * slab, slab)])

        @pl.when(sid == 0)
        def _():
            pltpu.sync_copy(den_sh, den_out.at[cid])

    return sc_edge_kernel


def _combine_body(acc_ref, den_ref, bias_ref, out_ref):
    a = acc_ref[0] + acc_ref[1]
    dcol = jnp.sum(den_ref[...], axis=0)
    safe = jnp.where(dcol > 0.0, a / jnp.where(dcol > 0.0, dcol, 1.0), 0.0)
    out_ref[...] = jnp.tanh(safe + bias_ref[...])


def _combine(acc, den, bias2d):
    nc, n, d = acc.shape
    nt = den.shape[0]
    bn = 2000
    nblk = n // bn
    return pl.pallas_call(
        _combine_body,
        grid=(nblk,),
        in_specs=[
            pl.BlockSpec((nc, bn, d), lambda i: (0, i, 0)),
            pl.BlockSpec((nt, bn, 1), lambda i: (0, i, 0)),
            pl.BlockSpec((1, d), lambda i: (0, 0)),
        ],
        out_specs=pl.BlockSpec((bn, d), lambda i: (i, 0)),
        out_shape=jax.ShapeDtypeStruct((n, d), jnp.float32),
    )(acc, den.reshape(nt, n, 1), bias2d)


def kernel(x, edge_index, W, attn_l, attn_r, bias):
    n, d_in = x.shape
    d = attn_l.shape[1]
    e = edge_index.shape[1]

    feat, el, er, _elm, _erm, boundv = _project(x, W, attn_l, attn_r)

    info = plsc.get_sparse_core_info()
    tiles = info.num_cores * info.num_subcores
    nchunk = e // (tiles * _CHUNK)
    eidx = edge_index.reshape(2 * tiles, nchunk, _CHUNK)
    zrows = jnp.zeros((n, d), jnp.float32)
    zvec = jnp.zeros((n,), jnp.float32)

    sc_kernel = _make_sc_edge_kernel(n, d, e, info.num_cores, info.num_subcores)
    acc, den = sc_kernel(feat, el.reshape(n), er.reshape(n), eidx,
                         boundv, zrows, zvec)

    return _combine(acc, den, bias.reshape(1, d))

# --- scband reference (transcript-rebuilt; emitter-appended) ---
"""Pipeline reference for scband-adaptive-breadth-layer-60163901882850 (READ-ONLY COPY).

The authoritative reference and input builder live on the scoring server;
editing this copy changes nothing except your own understanding.
"""

import jax
import jax.numpy as jnp
import numpy as np

N_NODES = 10000
N_EDGES = 320000
D_IN = 128
N_HEADS = 1
D_OUT = 128


def setup_inputs(seed: int = 0) -> dict:
    key = jax.random.key(seed)
    k1, k2, k3, k4, k5 = jax.random.split(key, 5)
    x = jax.random.normal(k1, (N_NODES, D_IN), dtype=jnp.float32)
    edge_index = jax.random.randint(k2, (2, N_EDGES), 0, N_NODES, dtype=jnp.int32)
    # GATConv parameters (DGL default init ~ xavier; small random is fine for reference)
    W = jax.random.normal(k3, (D_IN, N_HEADS * D_OUT), dtype=jnp.float32) * 0.05
    attn_l = jax.random.normal(k4, (N_HEADS, D_OUT), dtype=jnp.float32) * 0.05
    attn_r = jax.random.normal(k5, (N_HEADS, D_OUT), dtype=jnp.float32) * 0.05
    bias = jnp.zeros((N_HEADS * D_OUT,), dtype=jnp.float32)
    return {"x": x, "edge_index": edge_index, "W": W, "attn_l": attn_l, "attn_r": attn_r, "bias": bias}


def reference(x, edge_index, W, attn_l, attn_r, bias):
    # Faithful DGL GATConv (num_heads=1, activation=tanh) followed by mean over heads.
    N = x.shape[0]
    H, D = attn_l.shape
    feat = (x @ W).reshape(N, H, D)  # fc projection, shared src/dst
    el = (feat * attn_l[None, :, :]).sum(-1)  # [N, H]
    er = (feat * attn_r[None, :, :]).sum(-1)  # [N, H]
    src = edge_index[0]
    dst = edge_index[1]
    e = jax.nn.leaky_relu(el[src] + er[dst], negative_slope=0.2)  # [E, H]
    # edge softmax over incoming edges of each dst node
    emax = jax.ops.segment_max(e, dst, num_segments=N)  # [N, H]
    e_exp = jnp.exp(e - emax[dst])
    denom = jax.ops.segment_sum(e_exp, dst, num_segments=N)  # [N, H]
    alpha = e_exp / denom[dst]
    msg = alpha[:, :, None] * feat[src]  # [E, H, D]
    rst = jax.ops.segment_sum(msg, dst, num_segments=N)  # [N, H, D]
    rst = rst + bias.reshape(1, H, D)
    rst = jnp.tanh(rst)  # GATConv activation
    return rst.mean(axis=1)  # mean over heads -> [N, D]

if __name__ == "__main__":
    import jax
    _d = setup_inputs()
    print(jax.jit(kernel)(*tuple(_d.values())))

</pallas_src>

<mosaic_0001>
#map = affine_map<(d0, d1) -> (0, 0)>
#map1 = affine_map<(d0, d1) -> (0)>
#map2 = affine_map<(d0, d1) -> (0, 0, 0)>
module attributes {stable_mosaic.version = 14 : i64} {
  func.func @sc_edge_kernel(%arg0: i32, %arg1: i32, %arg2: memref<10000x128xf32, #tpu.memory_space<hbm>>, %arg3: memref<10000xf32, #tpu.memory_space<hbm>>, %arg4: memref<10000xf32, #tpu.memory_space<hbm>>, %arg5: memref<64x125x80xi32, #tpu.memory_space<hbm>>, %arg6: memref<1x16xf32, #tpu.memory_space<hbm>>, %arg7: memref<10000x128xf32, #tpu.memory_space<hbm>>, %arg8: memref<10000xf32, #tpu.memory_space<hbm>>, %arg9: memref<2x10000x128xf32, #tpu.memory_space<hbm>>, %arg10: memref<2x10000xf32, #tpu.memory_space<hbm>>, %arg11: memref<10000x128xf32, #tpu.memory_space<vmem_shared>>, %arg12: memref<10000xf32, #tpu.memory_space<vmem_shared>>, %arg13: memref<10000xf32, #tpu.memory_space<vmem>>, %arg14: memref<10000xf32, #tpu.memory_space<vmem>>, %arg15: memref<16xf32, #tpu.memory_space<vmem>>, %arg16: memref<3x80xi32, #tpu.memory_space<vmem>>, %arg17: memref<3x80xi32, #tpu.memory_space<vmem>>, %arg18: memref<2x80xi32, #tpu.memory_space<vmem>>, %arg19: memref<2x80xf32, #tpu.memory_space<vmem>>, %arg20: memref<2x80x128xf32, #tpu.memory_space<vmem>>, %arg21: memref<2x!tpu.dma_semaphore, #tpu.memory_space<semaphore_mem>>, %arg22: memref<2x!tpu.dma_semaphore, #tpu.memory_space<semaphore_mem>>, %arg23: memref<3x!tpu.dma_semaphore, #tpu.memory_space<semaphore_mem>>, %arg24: memref<2x!tpu.dma_semaphore, #tpu.memory_space<semaphore_mem>>) attributes {dimension_semantics = [#tpu.dimension_semantics<core_parallel>, #tpu.dimension_semantics<subcore_parallel>], iteration_bounds = array<i64: 2, 16>, scalar_prefetch = 0 : i64, scratch_operands = 14 : i64, tpu.core_type = #tpu.core_type<sc_vector_subcore>, window_params = [{transform_indices = #map}, {transform_indices = #map1}, {transform_indices = #map1}, {transform_indices = #map2}, {transform_indices = #map}, {transform_indices = #map}, {transform_indices = #map1}, {transform_indices = #map2}, {transform_indices = #map}]} {
    %mul3A = arith.constant 16 : i32
    %mul3A_0 = arith.muli %arg0, %mul3A : i32
    %add3A = arith.addi %mul3A_0, %arg1 : i32
    "tpu.region"() ({
      %run_scoped3A_83 = tpu.sem_alloc : memref<!tpu.dma_semaphore, #tpu.memory_space<semaphore_mem>>
      tpu.enqueue_dma source(%arg3 : memref<10000xf32, #tpu.memory_space<hbm>>) target(%arg13 : memref<10000xf32, #tpu.memory_space<vmem>>) target_semaphore(%run_scoped3A_83 : memref<!tpu.dma_semaphore, #tpu.memory_space<semaphore_mem>>)
      tpu.wait_dma2 semaphore(%run_scoped3A_83 : memref<!tpu.dma_semaphore, #tpu.memory_space<semaphore_mem>>) src(%arg3 : memref<10000xf32, #tpu.memory_space<hbm>>) dst(%arg13 : memref<10000xf32, #tpu.memory_space<vmem>>)
      tpu.yield
    }) : () -> ()
    "tpu.region"() ({
      %run_scoped3A_83 = tpu.sem_alloc : memref<!tpu.dma_semaphore, #tpu.memory_space<semaphore_mem>>
      tpu.enqueue_dma source(%arg4 : memref<10000xf32, #tpu.memory_space<hbm>>) target(%arg14 : memref<10000xf32, #tpu.memory_space<vmem>>) target_semaphore(%run_scoped3A_83 : memref<!tpu.dma_semaphore, #tpu.memory_space<semaphore_mem>>)
      tpu.wait_dma2 semaphore(%run_scoped3A_83 : memref<!tpu.dma_semaphore, #tpu.memory_space<semaphore_mem>>) src(%arg4 : memref<10000xf32, #tpu.memory_space<hbm>>) dst(%arg14 : memref<10000xf32, #tpu.memory_space<vmem>>)
      tpu.yield
    }) : () -> ()
    %run_scoped3A = arith.constant 0 : i32
    "tpu.region"() ({
      %run_scoped3A_83 = tpu.sem_alloc : memref<!tpu.dma_semaphore, #tpu.memory_space<semaphore_mem>>
      %dma_start3A_84 = arith.constant 0 : i32
      %dma_start3A_85 = tpu.memref_slice %arg6[%run_scoped3A, %dma_start3A_84] : memref<1x16xf32, #tpu.memory_space<hbm>> -> memref<1x16xf32, #tpu.memory_space<hbm>>
      %dma_start3A_86 = tpu.memref_squeeze %dma_start3A_85 : memref<1x16xf32, #tpu.memory_space<hbm>> -> memref<16xf32, #tpu.memory_space<hbm>>
      %dma_start3A_87 = arith.constant 0 : i32
      %dma_start3A_88 = tpu.memref_slice %arg6[%run_scoped3A, %dma_start3A_87] : memref<1x16xf32, #tpu.memory_space<hbm>> -> memref<1x16xf32, #tpu.memory_space<hbm>>
      %dma_start3A_89 = tpu.memref_squeeze %dma_start3A_88 : memref<1x16xf32, #tpu.memory_space<hbm>> -> memref<16xf32, #tpu.memory_space<hbm>>
      tpu.enqueue_dma source(%dma_start3A_89 : memref<16xf32, #tpu.memory_space<hbm>>) target(%arg15 : memref<16xf32, #tpu.memory_space<vmem>>) target_semaphore(%run_scoped3A_83 : memref<!tpu.dma_semaphore, #tpu.memory_space<semaphore_mem>>)
      %dma_wait3A_90 = arith.constant 0 : i32
      %dma_wait3A_91 = tpu.memref_slice %arg6[%run_scoped3A, %dma_wait3A_90] : memref<1x16xf32, #tpu.memory_space<hbm>> -> memref<1x16xf32, #tpu.memory_space<hbm>>
      %dma_wait3A_92 = tpu.memref_squeeze %dma_wait3A_91 : memref<1x16xf32, #tpu.memory_space<hbm>> -> memref<16xf32, #tpu.memory_space<hbm>>
      %dma_wait3A_93 = arith.constant 0 : i32
      %dma_wait3A_94 = tpu.memref_slice %arg6[%run_scoped3A, %dma_wait3A_93] : memref<1x16xf32, #tpu.memory_space<hbm>> -> memref<1x16xf32, #tpu.memory_space<hbm>>
      %dma_wait3A_95 = tpu.memref_squeeze %dma_wait3A_94 : memref<1x16xf32, #tpu.memory_space<hbm>> -> memref<16xf32, #tpu.memory_space<hbm>>
      tpu.wait_dma2 semaphore(%run_scoped3A_83 : memref<!tpu.dma_semaphore, #tpu.memory_space<semaphore_mem>>) src(%dma_wait3A_95 : memref<16xf32, #tpu.memory_space<hbm>>) dst(%arg15 : memref<16xf32, #tpu.memory_space<vmem>>)
      tpu.yield
    }) : () -> ()
    %lt3A = arith.constant 10 : i32
    %lt3A_1 = arith.cmpi slt, %arg1, %lt3A : i32
    %convert_element_type3A = arith.extui %lt3A_1 : i1 to i32
    %cond3A = arith.constant 0 : i32
    %cond3A_2 = arith.cmpi ne, %convert_element_type3A, %cond3A : i32
    scf.if %cond3A_2 {
      %mul3A_83 = arith.constant 1000 : i32
      %mul3A_84 = arith.muli %arg1, %mul3A_83 : i32
      %mul3A_85 = arith.constant 1000 : i32
      %mul3A_86 = arith.muli %arg1, %mul3A_85 : i32
      "tpu.region"() ({
        %run_scoped3A_87 = tpu.sem_alloc : memref<!tpu.dma_semaphore, #tpu.memory_space<semaphore_mem>>
        %dma_start3A_88 = arith.constant 0 : i32
        %dma_start3A_89 = tpu.memref_slice %arg11[%mul3A_86, %dma_start3A_88] : memref<10000x128xf32, #tpu.memory_space<vmem_shared>> -> memref<1000x128xf32, #tpu.memory_space<vmem_shared>>
        %dma_start3A_90 = arith.constant 0 : i32
        %dma_start3A_91 = tpu.memref_slice %arg7[%mul3A_84, %dma_start3A_90] : memref<10000x128xf32, #tpu.memory_space<hbm>> -> memref<1000x128xf32, #tpu.memory_space<hbm>>
        tpu.enqueue_dma source(%dma_start3A_91 : memref<1000x128xf32, #tpu.memory_space<hbm>>) target(%dma_start3A_89 : memref<1000x128xf32, #tpu.memory_space<vmem_shared>>) target_semaphore(%run_scoped3A_87 : memref<!tpu.dma_semaphore, #tpu.memory_space<semaphore_mem>>)
        %dma_wait3A_92 = arith.constant 0 : i32
        %dma_wait3A_93 = tpu.memref_slice %arg11[%mul3A_86, %dma_wait3A_92] : memref<10000x128xf32, #tpu.memory_space<vmem_shared>> -> memref<1000x128xf32, #tpu.memory_space<vmem_shared>>
        %dma_wait3A_94 = arith.constant 0 : i32
        %dma_wait3A_95 = tpu.memref_slice %arg7[%mul3A_84, %dma_wait3A_94] : memref<10000x128xf32, #tpu.memory_space<hbm>> -> memref<1000x128xf32, #tpu.memory_space<hbm>>
        tpu.wait_dma2 semaphore(%run_scoped3A_87 : memref<!tpu.dma_semaphore, #tpu.memory_space<semaphore_mem>>) src(%dma_wait3A_95 : memref<1000x128xf32, #tpu.memory_space<hbm>>) dst(%dma_wait3A_93 : memref<1000x128xf32, #tpu.memory_space<vmem_shared>>)
        tpu.yield
      }) : () -> ()
    } else {
    }
    %eq3A = arith.constant 0 : i32
    %eq3A_3 = arith.cmpi eq, %arg1, %eq3A : i32
    %convert_element_type3A_4 = arith.extui %eq3A_3 : i1 to i32
    %cond3A_5 = arith.constant 0 : i32
    %cond3A_6 = arith.cmpi ne, %convert_element_type3A_4, %cond3A_5 : i32
    scf.if %cond3A_6 {
      "tpu.region"() ({
        %run_scoped3A_83 = tpu.sem_alloc : memref<!tpu.dma_semaphore, #tpu.memory_space<semaphore_mem>>
        tpu.enqueue_dma source(%arg8 : memref<10000xf32, #tpu.memory_space<hbm>>) target(%arg12 : memref<10000xf32, #tpu.memory_space<vmem_shared>>) target_semaphore(%run_scoped3A_83 : memref<!tpu.dma_semaphore, #tpu.memory_space<semaphore_mem>>)
        tpu.wait_dma2 semaphore(%run_scoped3A_83 : memref<!tpu.dma_semaphore, #tpu.memory_space<semaphore_mem>>) src(%arg8 : memref<10000xf32, #tpu.memory_space<hbm>>) dst(%arg12 : memref<10000xf32, #tpu.memory_space<vmem_shared>>)
        tpu.yield
      }) : () -> ()
    } else {
    }
    %barrier3A = arith.constant 0 : index
    tpu.barrier barrier_id(%barrier3A)
    %get3A = arith.constant 0 : index
    %get3A_7 = tpu.vector_load %arg15[%get3A] {strides = array<i32>} : memref<16xf32, #tpu.memory_space<vmem>>, vector<16xf32>,
    %run_scoped3A_8 = arith.constant 0 : i32
    %run_scoped3A_9 = arith.constant 0 : i32
    "tpu.region"() ({
      %run_scoped3A_83 = tpu.sem_alloc : memref<!tpu.dma_semaphore, #tpu.memory_space<semaphore_mem>>
      %dma_start3A_84 = arith.constant 0 : i32
      %dma_start3A_85 = tpu.memref_slice %arg16[%run_scoped3A_9, %dma_start3A_84] : memref<3x80xi32, #tpu.memory_space<vmem>> -> memref<1x80xi32, #tpu.memory_space<vmem>>
      %dma_start3A_86 = tpu.memref_squeeze %dma_start3A_85 : memref<1x80xi32, #tpu.memory_space<vmem>> -> memref<80xi32, #tpu.memory_space<vmem>>
      %dma_start3A_87 = arith.constant 0 : i32
      %dma_start3A_88 = tpu.memref_slice %arg5[%add3A, %run_scoped3A_8, %dma_start3A_87] : memref<64x125x80xi32, #tpu.memory_space<hbm>> -> memref<1x1x80xi32, #tpu.memory_space<hbm>>
      %dma_start3A_89 = tpu.memref_squeeze %dma_start3A_88 : memref<1x1x80xi32, #tpu.memory_space<hbm>> -> memref<80xi32, #tpu.memory_space<hbm>>
      %dma_start3A_90 = arith.constant 0 : i32
      %dma_start3A_91 = tpu.memref_slice %arg16[%run_scoped3A_9, %dma_start3A_90] : memref<3x80xi32, #tpu.memory_space<vmem>> -> memref<1x80xi32, #tpu.memory_space<vmem>>
      %dma_start3A_92 = tpu.memref_squeeze %dma_start3A_91 : memref<1x80xi32, #tpu.memory_space<vmem>> -> memref<80xi32, #tpu.memory_space<vmem>>
      %dma_start3A_93 = arith.constant 0 : i32
      %dma_start3A_94 = tpu.memref_slice %arg5[%add3A, %run_scoped3A_8, %dma_start3A_93] : memref<64x125x80xi32, #tpu.memory_space<hbm>> -> memref<1x1x80xi32, #tpu.memory_space<hbm>>
      %dma_start3A_95 = tpu.memref_squeeze %dma_start3A_94 : memref<1x1x80xi32, #tpu.memory_space<hbm>> -> memref<80xi32, #tpu.memory_space<hbm>>
      tpu.enqueue_dma source(%dma_start3A_95 : memref<80xi32, #tpu.memory_space<hbm>>) target(%dma_start3A_92 : memref<80xi32, #tpu.memory_space<vmem>>) target_semaphore(%run_scoped3A_83 : memref<!tpu.dma_semaphore, #tpu.memory_space<semaphore_mem>>)
      %dma_wait3A_96 = arith.constant 0 : i32
      %dma_wait3A_97 = tpu.memref_slice %arg16[%run_scoped3A_9, %dma_wait3A_96] : memref<3x80xi32, #tpu.memory_space<vmem>> -> memref<1x80xi32, #tpu.memory_space<vmem>>
      %dma_wait3A_98 = tpu.memref_squeeze %dma_wait3A_97 : memref<1x80xi32, #tpu.memory_space<vmem>> -> memref<80xi32, #tpu.memory_space<vmem>>
      %dma_wait3A_99 = arith.constant 0 : i32
      %dma_wait3A_100 = tpu.memref_slice %arg5[%add3A, %run_scoped3A_8, %dma_wait3A_99] : memref<64x125x80xi32, #tpu.memory_space<hbm>> -> memref<1x1x80xi32, #tpu.memory_space<hbm>>
      %dma_wait3A_101 = tpu.memref_squeeze %dma_wait3A_100 : memref<1x1x80xi32, #tpu.memory_space<hbm>> -> memref<80xi32, #tpu.memory_space<hbm>>
      %dma_wait3A_102 = arith.constant 0 : i32
      %dma_wait3A_103 = tpu.memref_slice %arg16[%run_scoped3A_9, %dma_wait3A_102] : memref<3x80xi32, #tpu.memory_space<vmem>> -> memref<1x80xi32, #tpu.memory_space<vmem>>
      %dma_wait3A_104 = tpu.memref_squeeze %dma_wait3A_103 : memref<1x80xi32, #tpu.memory_space<vmem>> -> memref<80xi32, #tpu.memory_space<vmem>>
      %dma_wait3A_105 = arith.constant 0 : i32
      %dma_wait3A_106 = tpu.memref_slice %arg5[%add3A, %run_scoped3A_8, %dma_wait3A_105] : memref<64x125x80xi32, #tpu.memory_space<hbm>> -> memref<1x1x80xi32, #tpu.memory_space<hbm>>
      %dma_wait3A_107 = tpu.memref_squeeze %dma_wait3A_106 : memref<1x1x80xi32, #tpu.memory_space<hbm>> -> memref<80xi32, #tpu.memory_space<hbm>>
      tpu.wait_dma2 semaphore(%run_scoped3A_83 : memref<!tpu.dma_semaphore, #tpu.memory_space<semaphore_mem>>) src(%dma_wait3A_107 : memref<80xi32, #tpu.memory_space<hbm>>) dst(%dma_wait3A_104 : memref<80xi32, #tpu.memory_space<vmem>>)
      tpu.yield
    }) : () -> ()
    %add3A_10 = arith.constant 32 : i32
    %add3A_11 = arith.addi %add3A_10, %add3A : i32
    %run_scoped3A_12 = arith.constant 0 : i32
    %run_scoped3A_13 = arith.constant 0 : i32
    "tpu.region"() ({
      %run_scoped3A_83 = tpu.sem_alloc : memref<!tpu.dma_semaphore, #tpu.memory_space<semaphore_mem>>
      %dma_start3A_84 = arith.constant 0 : i32
      %dma_start3A_85 = tpu.memref_slice %arg17[%run_scoped3A_13, %dma_start3A_84] : memref<3x80xi32, #tpu.memory_space<vmem>> -> memref<1x80xi32, #tpu.memory_space<vmem>>
      %dma_start3A_86 = tpu.memref_squeeze %dma_start3A_85 : memref<1x80xi32, #tpu.memory_space<vmem>> -> memref<80xi32, #tpu.memory_space<vmem>>
      %dma_start3A_87 = arith.constant 0 : i32
      %dma_start3A_88 = tpu.memref_slice %arg5[%add3A_11, %run_scoped3A_12, %dma_start3A_87] : memref<64x125x80xi32, #tpu.memory_space<hbm>> -> memref<1x1x80xi32, #tpu.memory_space<hbm>>
      %dma_start3A_89 = tpu.memref_squeeze %dma_start3A_88 : memref<1x1x80xi32, #tpu.memory_space<hbm>> -> memref<80xi32, #tpu.memory_space<hbm>>
      %dma_start3A_90 = arith.constant 0 : i32
      %dma_start3A_91 = tpu.memref_slice %arg17[%run_scoped3A_13, %dma_start3A_90] : memref<3x80xi32, #tpu.memory_space<vmem>> -> memref<1x80xi32, #tpu.memory_space<vmem>>
      %dma_start3A_92 = tpu.memref_squeeze %dma_start3A_91 : memref<1x80xi32, #tpu.memory_space<vmem>> -> memref<80xi32, #tpu.memory_space<vmem>>
      %dma_start3A_93 = arith.constant 0 : i32
      %dma_start3A_94 = tpu.memref_slice %arg5[%add3A_11, %run_scoped3A_12, %dma_start3A_93] : memref<64x125x80xi32, #tpu.memory_space<hbm>> -> memref<1x1x80xi32, #tpu.memory_space<hbm>>
      %dma_start3A_95 = tpu.memref_squeeze %dma_start3A_94 : memref<1x1x80xi32, #tpu.memory_space<hbm>> -> memref<80xi32, #tpu.memory_space<hbm>>
      tpu.enqueue_dma source(%dma_start3A_95 : memref<80xi32, #tpu.memory_space<hbm>>) target(%dma_start3A_92 : memref<80xi32, #tpu.memory_space<vmem>>) target_semaphore(%run_scoped3A_83 : memref<!tpu.dma_semaphore, #tpu.memory_space<semaphore_mem>>)
      %dma_wait3A_96 = arith.constant 0 : i32
      %dma_wait3A_97 = tpu.memref_slice %arg17[%run_scoped3A_13, %dma_wait3A_96] : memref<3x80xi32, #tpu.memory_space<vmem>> -> memref<1x80xi32, #tpu.memory_space<vmem>>
      %dma_wait3A_98 = tpu.memref_squeeze %dma_wait3A_97 : memref<1x80xi32, #tpu.memory_space<vmem>> -> memref<80xi32, #tpu.memory_space<vmem>>
      %dma_wait3A_99 = arith.constant 0 : i32
      %dma_wait3A_100 = tpu.memref_slice %arg5[%add3A_11, %run_scoped3A_12, %dma_wait3A_99] : memref<64x125x80xi32, #tpu.memory_space<hbm>> -> memref<1x1x80xi32, #tpu.memory_space<hbm>>
      %dma_wait3A_101 = tpu.memref_squeeze %dma_wait3A_100 : memref<1x1x80xi32, #tpu.memory_space<hbm>> -> memref<80xi32, #tpu.memory_space<hbm>>
      %dma_wait3A_102 = arith.constant 0 : i32
      %dma_wait3A_103 = tpu.memref_slice %arg17[%run_scoped3A_13, %dma_wait3A_102] : memref<3x80xi32, #tpu.memory_space<vmem>> -> memref<1x80xi32, #tpu.memory_space<vmem>>
      %dma_wait3A_104 = tpu.memref_squeeze %dma_wait3A_103 : memref<1x80xi32, #tpu.memory_space<vmem>> -> memref<80xi32, #tpu.memory_space<vmem>>
      %dma_wait3A_105 = arith.constant 0 : i32
      %dma_wait3A_106 = tpu.memref_slice %arg5[%add3A_11, %run_scoped3A_12, %dma_wait3A_105] : memref<64x125x80xi32, #tpu.memory_space<hbm>> -> memref<1x1x80xi32, #tpu.memory_space<hbm>>
      %dma_wait3A_107 = tpu.memref_squeeze %dma_wait3A_106 : memref<1x1x80xi32, #tpu.memory_space<hbm>> -> memref<80xi32, #tpu.memory_space<hbm>>
      tpu.wait_dma2 semaphore(%run_scoped3A_83 : memref<!tpu.dma_semaphore, #tpu.memory_space<semaphore_mem>>) src(%dma_wait3A_107 : memref<80xi32, #tpu.memory_space<hbm>>) dst(%dma_wait3A_104 : memref<80xi32, #tpu.memory_space<vmem>>)
      tpu.yield
    }) : () -> ()
    %dma_start3A = arith.constant 0 : i32
    %dma_start3A_14 = arith.constant 0 : i32
    %dma_start3A_15 = arith.constant 0 : i32
    %dma_start3A_16 = arith.constant 0 : i32
    %dma_start3A_17 = arith.constant 0 : i32
    %dma_start3A_18 = tpu.memref_slice %arg20[%dma_start3A_14, %dma_start3A_16, %dma_start3A_17] : memref<2x80x128xf32, #tpu.memory_space<vmem>> -> memref<1x80x128xf32, #tpu.memory_space<vmem>>
    %dma_start3A_19 = tpu.memref_squeeze %dma_start3A_18 : memref<1x80x128xf32, #tpu.memory_space<vmem>> -> memref<80x128xf32, #tpu.memory_space<vmem>>
    %dma_start3A_20 = arith.constant 0 : i32
    %dma_start3A_21 = tpu.memref_slice %arg16[%dma_start3A, %dma_start3A_20] : memref<3x80xi32, #tpu.memory_space<vmem>> -> memref<1x80xi32, #tpu.memory_space<vmem>>
    %dma_start3A_22 = tpu.memref_squeeze %dma_start3A_21 : memref<1x80xi32, #tpu.memory_space<vmem>> -> memref<80xi32, #tpu.memory_space<vmem>>
    %dma_start3A_23 = arith.constant 0 : i32
    %dma_start3A_24 = arith.constant 0 : i32
    %dma_start3A_25 = tpu.memref_slice %arg2[%dma_start3A_23, %dma_start3A_24] : memref<10000x128xf32, #tpu.memory_space<hbm>> -> memref<10000x128xf32, #tpu.memory_space<hbm>>
    %dma_start3A_26 = tpu.memref_slice %arg21[%dma_start3A_15] : memref<2x!tpu.dma_semaphore, #tpu.memory_space<semaphore_mem>> -> memref<1x!tpu.dma_semaphore, #tpu.memory_space<semaphore_mem>>
    %dma_start3A_27 = tpu.memref_squeeze %dma_start3A_26 : memref<1x!tpu.dma_semaphore, #tpu.memory_space<semaphore_mem>> -> memref<!tpu.dma_semaphore, #tpu.memory_space<semaphore_mem>>
    tpu.enqueue_indirect_dma source(%dma_start3A_25 : memref<10000x128xf32, #tpu.memory_space<hbm>>) target(%dma_start3A_19 : memref<80x128xf32, #tpu.memory_space<vmem>>) offsets(%dma_start3A_22 : memref<80xi32, #tpu.memory_space<vmem>>) semaphore(%dma_start3A_27 : memref<!tpu.dma_semaphore, #tpu.memory_space<semaphore_mem>>)
    %gt3A = arith.constant 125 : i32
    %gt3A_28 = arith.constant 1 : i32
    %gt3A_29 = arith.cmpi sgt, %gt3A, %gt3A_28 : i32
    %convert_element_type3A_30 = arith.extui %gt3A_29 : i1 to i32
    %cond3A_31 = arith.constant 0 : i32
    %cond3A_32 = arith.cmpi ne, %convert_element_type3A_30, %cond3A_31 : i32
    scf.if %cond3A_32 {
      %dma_start3A_83 = arith.constant 1 : i32
      %dma_start3A_84 = arith.constant 1 : i32
      %dma_start3A_85 = arith.constant 1 : i32
      %dma_start3A_86 = arith.constant 0 : i32
      %dma_start3A_87 = tpu.memref_slice %arg16[%dma_start3A_84, %dma_start3A_86] : memref<3x80xi32, #tpu.memory_space<vmem>> -> memref<1x80xi32, #tpu.memory_space<vmem>>
      %dma_start3A_88 = tpu.memref_squeeze %dma_start3A_87 : memref<1x80xi32, #tpu.memory_space<vmem>> -> memref<80xi32, #tpu.memory_space<vmem>>
      %dma_start3A_89 = arith.constant 0 : i32
      %dma_start3A_90 = tpu.memref_slice %arg5[%add3A, %dma_start3A_83, %dma_start3A_89] : memref<64x125x80xi32, #tpu.memory_space<hbm>> -> memref<1x1x80xi32, #tpu.memory_space<hbm>>
      %dma_start3A_91 = tpu.memref_squeeze %dma_start3A_90 : memref<1x1x80xi32, #tpu.memory_space<hbm>> -> memref<80xi32, #tpu.memory_space<hbm>>
      %dma_start3A_92 = tpu.memref_slice %arg23[%dma_start3A_85] : memref<3x!tpu.dma_semaphore, #tpu.memory_space<semaphore_mem>> -> memref<1x!tpu.dma_semaphore, #tpu.memory_space<semaphore_mem>>
      %dma_start3A_93 = tpu.memref_squeeze %dma_start3A_92 : memref<1x!tpu.dma_semaphore, #tpu.memory_space<semaphore_mem>> -> memref<!tpu.dma_semaphore, #tpu.memory_space<semaphore_mem>>
      %dma_start3A_94 = arith.constant 0 : i32
      %dma_start3A_95 = tpu.memref_slice %arg16[%dma_start3A_84, %dma_start3A_94] : memref<3x80xi32, #tpu.memory_space<vmem>> -> memref<1x80xi32, #tpu.memory_space<vmem>>
      %dma_start3A_96 = tpu.memref_squeeze %dma_start3A_95 : memref<1x80xi32, #tpu.memory_space<vmem>> -> memref<80xi32, #tpu.memory_space<vmem>>
      %dma_start3A_97 = arith.constant 0 : i32
      %dma_start3A_98 = tpu.memref_slice %arg5[%add3A, %dma_start3A_83, %dma_start3A_97] : memref<64x125x80xi32, #tpu.memory_space<hbm>> -> memref<1x1x80xi32, #tpu.memory_space<hbm>>
      %dma_start3A_99 = tpu.memref_squeeze %dma_start3A_98 : memref<1x1x80xi32, #tpu.memory_space<hbm>> -> memref<80xi32, #tpu.memory_space<hbm>>
      tpu.enqueue_dma source(%dma_start3A_99 : memref<80xi32, #tpu.memory_space<hbm>>) target(%dma_start3A_96 : memref<80xi32, #tpu.memory_space<vmem>>) target_semaphore(%dma_start3A_93 : memref<!tpu.dma_semaphore, #tpu.memory_space<semaphore_mem>>)
      %add3A_100 = arith.constant 32 : i32
      %add3A_101 = arith.addi %add3A_100, %add3A : i32
      %dma_start3A_102 = arith.constant 1 : i32
      %dma_start3A_103 = arith.constant 1 : i32
      %dma_start3A_104 = arith.constant 1 : i32
      %dma_start3A_105 = arith.constant 0 : i32
      %dma_start3A_106 = tpu.memref_slice %arg17[%dma_start3A_103, %dma_start3A_105] : memref<3x80xi32, #tpu.memory_space<vmem>> -> memref<1x80xi32, #tpu.memory_space<vmem>>
      %dma_start3A_107 = tpu.memref_squeeze %dma_start3A_106 : memref<1x80xi32, #tpu.memory_space<vmem>> -> memref<80xi32, #tpu.memory_space<vmem>>
      %dma_start3A_108 = arith.constant 0 : i32
      %dma_start3A_109 = tpu.memref_slice %arg5[%add3A_101, %dma_start3A_102, %dma_start3A_108] : memref<64x125x80xi32, #tpu.memory_space<hbm>> -> memref<1x1x80xi32, #tpu.memory_space<hbm>>
      %dma_start3A_110 = tpu.memref_squeeze %dma_start3A_109 : memref<1x1x80xi32, #tpu.memory_space<hbm>> -> memref<80xi32, #tpu.memory_space<hbm>>
      %dma_start3A_111 = tpu.memref_slice %arg23[%dma_start3A_104] : memref<3x!tpu.dma_semaphore, #tpu.memory_space<semaphore_mem>> -> memref<1x!tpu.dma_semaphore, #tpu.memory_space<semaphore_mem>>
      %dma_start3A_112 = tpu.memref_squeeze %dma_start3A_111 : memref<1x!tpu.dma_semaphore, #tpu.memory_space<semaphore_mem>> -> memref<!tpu.dma_semaphore, #tpu.memory_space<semaphore_mem>>
      %dma_start3A_113 = arith.constant 0 : i32
      %dma_start3A_114 = tpu.memref_slice %arg17[%dma_start3A_103, %dma_start3A_113] : memref<3x80xi32, #tpu.memory_space<vmem>> -> memref<1x80xi32, #tpu.memory_space<vmem>>
      %dma_start3A_115 = tpu.memref_squeeze %dma_start3A_114 : memref<1x80xi32, #tpu.memory_space<vmem>> -> memref<80xi32, #tpu.memory_space<vmem>>
      %dma_start3A_116 = arith.constant 0 : i32
      %dma_start3A_117 = tpu.memref_slice %arg5[%add3A_101, %dma_start3A_102, %dma_start3A_116] : memref<64x125x80xi32, #tpu.memory_space<hbm>> -> memref<1x1x80xi32, #tpu.memory_space<hbm>>
      %dma_start3A_118 = tpu.memref_squeeze %dma_start3A_117 : memref<1x1x80xi32, #tpu.memory_space<hbm>> -> memref<80xi32, #tpu.memory_space<hbm>>
      tpu.enqueue_dma source(%dma_start3A_118 : memref<80xi32, #tpu.memory_space<hbm>>) target(%dma_start3A_115 : memref<80xi32, #tpu.memory_space<vmem>>) target_semaphore(%dma_start3A_112 : memref<!tpu.dma_semaphore, #tpu.memory_space<semaphore_mem>>)
    } else {
    }
    %scan3A = arith.constant 0 : i32
    %scan3A_33 = arith.constant 0 : i32
    %scan3A_34 = arith.constant 125 : i32
    %scan3A_35 = arith.addi %scan3A_33, %scan3A_34 : i32
    %scan3A_36 = arith.constant 1 : i32
    scf.for %scan3A_83 = %scan3A_33 to %scan3A_35 step %scan3A_36  : i32 {
      %rem3A_84 = arith.constant 2 : i32
      %rem3A_85 = arith.remsi %scan3A_83, %rem3A_84 : i32
      %add3A_86 = arith.constant 1 : i32
      %add3A_87 = arith.addi %scan3A_83, %add3A_86 : i32
      %rem3A_88 = arith.constant 2 : i32
      %rem3A_89 = arith.remsi %add3A_87, %rem3A_88 : i32
      %rem3A_90 = arith.constant 3 : i32
      %rem3A_91 = arith.remsi %scan3A_83, %rem3A_90 : i32
      %add3A_92 = arith.constant 1 : i32
      %add3A_93 = arith.addi %scan3A_83, %add3A_92 : i32
      %rem3A_94 = arith.constant 3 : i32
      %rem3A_95 = arith.remsi %add3A_93, %rem3A_94 : i32
      %add3A_96 = arith.constant 2 : i32
      %add3A_97 = arith.addi %scan3A_83, %add3A_96 : i32
      %rem3A_98 = arith.constant 3 : i32
      %rem3A_99 = arith.remsi %add3A_97, %rem3A_98 : i32
      %ge3A_100 = arith.constant 1 : i32
      %ge3A_101 = arith.cmpi sge, %scan3A_83, %ge3A_100 : i32
      %convert_element_type3A_102 = arith.extui %ge3A_101 : i1 to i32
      %cond3A_103 = arith.constant 0 : i32
      %cond3A_104 = arith.cmpi ne, %convert_element_type3A_102, %cond3A_103 : i32
      scf.if %cond3A_104 {
        %sub3A_260 = arith.constant 1 : i32
        %sub3A_261 = arith.subi %scan3A_83, %sub3A_260 : i32
        %rem3A_262 = arith.constant 3 : i32
        %rem3A_263 = arith.remsi %sub3A_261, %rem3A_262 : i32
        %dma_wait3A_264 = arith.constant 0 : i32
        %dma_wait3A_265 = arith.constant 0 : i32
        %dma_wait3A_266 = tpu.memref_slice %arg20[%rem3A_89, %dma_wait3A_264, %dma_wait3A_265] : memref<2x80x128xf32, #tpu.memory_space<vmem>> -> memref<1x80x128xf32, #tpu.memory_space<vmem>>
        %dma_wait3A_267 = tpu.memref_squeeze %dma_wait3A_266 : memref<1x80x128xf32, #tpu.memory_space<vmem>> -> memref<80x128xf32, #tpu.memory_space<vmem>>
        %dma_wait3A_268 = arith.constant 0 : i32
        %dma_wait3A_269 = tpu.memref_slice %arg17[%rem3A_263, %dma_wait3A_268] : memref<3x80xi32, #tpu.memory_space<vmem>> -> memref<1x80xi32, #tpu.memory_space<vmem>>
        %dma_wait3A_270 = tpu.memref_squeeze %dma_wait3A_269 : memref<1x80xi32, #tpu.memory_space<vmem>> -> memref<80xi32, #tpu.memory_space<vmem>>
        %dma_wait3A_271 = arith.constant 0 : i32
        %dma_wait3A_272 = arith.constant 0 : i32
        %dma_wait3A_273 = tpu.memref_slice %arg11[%dma_wait3A_271, %dma_wait3A_272] : memref<10000x128xf32, #tpu.memory_space<vmem_shared>> -> memref<10000x128xf32, #tpu.memory_space<vmem_shared>>
        %dma_wait3A_274 = tpu.memref_slice %arg22[%rem3A_89] : memref<2x!tpu.dma_semaphore, #tpu.memory_space<semaphore_mem>> -> memref<1x!tpu.dma_semaphore, #tpu.memory_space<semaphore_mem>>
        %dma_wait3A_275 = tpu.memref_squeeze %dma_wait3A_274 : memref<1x!tpu.dma_semaphore, #tpu.memory_space<semaphore_mem>> -> memref<!tpu.dma_semaphore, #tpu.memory_space<semaphore_mem>>
        tpu.wait_indirect_dma semaphore(%dma_wait3A_275 : memref<!tpu.dma_semaphore, #tpu.memory_space<semaphore_mem>>) src(%dma_wait3A_267 : memref<80x128xf32, #tpu.memory_space<vmem>>) dst(%dma_wait3A_273 : memref<10000x128xf32, #tpu.memory_space<vmem_shared>>)
      } else {
      }
      %add3A_105 = arith.constant 1 : i32
      %add3A_106 = arith.addi %scan3A_83, %add3A_105 : i32
      %lt3A_107 = arith.constant 125 : i32
      %lt3A_108 = arith.cmpi slt, %add3A_106, %lt3A_107 : i32
      %convert_element_type3A_109 = arith.extui %lt3A_108 : i1 to i32
      %cond3A_110 = arith.constant 0 : i32
      %cond3A_111 = arith.cmpi ne, %convert_element_type3A_109, %cond3A_110 : i32
      scf.if %cond3A_111 {
        %add3A_260 = arith.constant 1 : i32
        %add3A_261 = arith.addi %scan3A_83, %add3A_260 : i32
        %dma_wait3A_262 = arith.constant 0 : i32
        %dma_wait3A_263 = tpu.memref_slice %arg16[%rem3A_95, %dma_wait3A_262] : memref<3x80xi32, #tpu.memory_space<vmem>> -> memref<1x80xi32, #tpu.memory_space<vmem>>
        %dma_wait3A_264 = tpu.memref_squeeze %dma_wait3A_263 : memref<1x80xi32, #tpu.memory_space<vmem>> -> memref<80xi32, #tpu.memory_space<vmem>>
        %dma_wait3A_265 = arith.constant 0 : i32
        %dma_wait3A_266 = tpu.memref_slice %arg5[%add3A, %add3A_261, %dma_wait3A_265] : memref<64x125x80xi32, #tpu.memory_space<hbm>> -> memref<1x1x80xi32, #tpu.memory_space<hbm>>
        %dma_wait3A_267 = tpu.memref_squeeze %dma_wait3A_266 : memref<1x1x80xi32, #tpu.memory_space<hbm>> -> memref<80xi32, #tpu.memory_space<hbm>>
        %dma_wait3A_268 = tpu.memref_slice %arg23[%rem3A_95] : memref<3x!tpu.dma_semaphore, #tpu.memory_space<semaphore_mem>> -> memref<1x!tpu.dma_semaphore, #tpu.memory_space<semaphore_mem>>
        %dma_wait3A_269 = tpu.memref_squeeze %dma_wait3A_268 : memref<1x!tpu.dma_semaphore, #tpu.memory_space<semaphore_mem>> -> memref<!tpu.dma_semaphore, #tpu.memory_space<semaphore_mem>>
        %dma_wait3A_270 = arith.constant 0 : i32
        %dma_wait3A_271 = tpu.memref_slice %arg16[%rem3A_95, %dma_wait3A_270] : memref<3x80xi32, #tpu.memory_space<vmem>> -> memref<1x80xi32, #tpu.memory_space<vmem>>
        %dma_wait3A_272 = tpu.memref_squeeze %dma_wait3A_271 : memref<1x80xi32, #tpu.memory_space<vmem>> -> memref<80xi32, #tpu.memory_space<vmem>>
        %dma_wait3A_273 = arith.constant 0 : i32
        %dma_wait3A_274 = tpu.memref_slice %arg5[%add3A, %add3A_261, %dma_wait3A_273] : memref<64x125x80xi32, #tpu.memory_space<hbm>> -> memref<1x1x80xi32, #tpu.memory_space<hbm>>
        %dma_wait3A_275 = tpu.memref_squeeze %dma_wait3A_274 : memref<1x1x80xi32, #tpu.memory_space<hbm>> -> memref<80xi32, #tpu.memory_space<hbm>>
        tpu.wait_dma2 semaphore(%dma_wait3A_269 : memref<!tpu.dma_semaphore, #tpu.memory_space<semaphore_mem>>) src(%dma_wait3A_275 : memref<80xi32, #tpu.memory_space<hbm>>) dst(%dma_wait3A_272 : memref<80xi32, #tpu.memory_space<vmem>>)
        %add3A_276 = arith.constant 32 : i32
        %add3A_277 = arith.addi %add3A_276, %add3A : i32
        %dma_wait3A_278 = arith.constant 0 : i32
        %dma_wait3A_279 = tpu.memref_slice %arg17[%rem3A_95, %dma_wait3A_278] : memref<3x80xi32, #tpu.memory_space<vmem>> -> memref<1x80xi32, #tpu.memory_space<vmem>>
        %dma_wait3A_280 = tpu.memref_squeeze %dma_wait3A_279 : memref<1x80xi32, #tpu.memory_space<vmem>> -> memref<80xi32, #tpu.memory_space<vmem>>
        %dma_wait3A_281 = arith.constant 0 : i32
        %dma_wait3A_282 = tpu.memref_slice %arg5[%add3A_277, %add3A_261, %dma_wait3A_281] : memref<64x125x80xi32, #tpu.memory_space<hbm>> -> memref<1x1x80xi32, #tpu.memory_space<hbm>>
        %dma_wait3A_283 = tpu.memref_squeeze %dma_wait3A_282 : memref<1x1x80xi32, #tpu.memory_space<hbm>> -> memref<80xi32, #tpu.memory_space<hbm>>
        %dma_wait3A_284 = tpu.memref_slice %arg23[%rem3A_95] : memref<3x!tpu.dma_semaphore, #tpu.memory_space<semaphore_mem>> -> memref<1x!tpu.dma_semaphore, #tpu.memory_space<semaphore_mem>>
        %dma_wait3A_285 = tpu.memref_squeeze %dma_wait3A_284 : memref<1x!tpu.dma_semaphore, #tpu.memory_space<semaphore_mem>> -> memref<!tpu.dma_semaphore, #tpu.memory_space<semaphore_mem>>
        %dma_wait3A_286 = arith.constant 0 : i32
        %dma_wait3A_287 = tpu.memref_slice %arg17[%rem3A_95, %dma_wait3A_286] : memref<3x80xi32, #tpu.memory_space<vmem>> -> memref<1x80xi32, #tpu.memory_space<vmem>>
        %dma_wait3A_288 = tpu.memref_squeeze %dma_wait3A_287 : memref<1x80xi32, #tpu.memory_space<vmem>> -> memref<80xi32, #tpu.memory_space<vmem>>
        %dma_wait3A_289 = arith.constant 0 : i32
        %dma_wait3A_290 = tpu.memref_slice %arg5[%add3A_277, %add3A_261, %dma_wait3A_289] : memref<64x125x80xi32, #tpu.memory_space<hbm>> -> memref<1x1x80xi32, #tpu.memory_space<hbm>>
        %dma_wait3A_291 = tpu.memref_squeeze %dma_wait3A_290 : memref<1x1x80xi32, #tpu.memory_space<hbm>> -> memref<80xi32, #tpu.memory_space<hbm>>
        tpu.wait_dma2 semaphore(%dma_wait3A_285 : memref<!tpu.dma_semaphore, #tpu.memory_space<semaphore_mem>>) src(%dma_wait3A_291 : memref<80xi32, #tpu.memory_space<hbm>>) dst(%dma_wait3A_288 : memref<80xi32, #tpu.memory_space<vmem>>)
        %add3A_292 = arith.constant 1 : i32
        %add3A_293 = arith.addi %scan3A_83, %add3A_292 : i32
        %dma_start3A_294 = arith.constant 0 : i32
        %dma_start3A_295 = arith.constant 0 : i32
        %dma_start3A_296 = tpu.memref_slice %arg20[%rem3A_89, %dma_start3A_294, %dma_start3A_295] : memref<2x80x128xf32, #tpu.memory_space<vmem>> -> memref<1x80x128xf32, #tpu.memory_space<vmem>>
        %dma_start3A_297 = tpu.memref_squeeze %dma_start3A_296 : memref<1x80x128xf32, #tpu.memory_space<vmem>> -> memref<80x128xf32, #tpu.memory_space<vmem>>
        %dma_start3A_298 = arith.constant 0 : i32
        %dma_start3A_299 = tpu.memref_slice %arg16[%rem3A_95, %dma_start3A_298] : memref<3x80xi32, #tpu.memory_space<vmem>> -> memref<1x80xi32, #tpu.memory_space<vmem>>
        %dma_start3A_300 = tpu.memref_squeeze %dma_start3A_299 : memref<1x80xi32, #tpu.memory_space<vmem>> -> memref<80xi32, #tpu.memory_space<vmem>>
        %dma_start3A_301 = arith.constant 0 : i32
        %dma_start3A_302 = arith.constant 0 : i32
        %dma_start3A_303 = tpu.memref_slice %arg2[%dma_start3A_301, %dma_start3A_302] : memref<10000x128xf32, #tpu.memory_space<hbm>> -> memref<10000x128xf32, #tpu.memory_space<hbm>>
        %dma_start3A_304 = tpu.memref_slice %arg21[%rem3A_89] : memref<2x!tpu.dma_semaphore, #tpu.memory_space<semaphore_mem>> -> memref<1x!tpu.dma_semaphore, #tpu.memory_space<semaphore_mem>>
        %dma_start3A_305 = tpu.memref_squeeze %dma_start3A_304 : memref<1x!tpu.dma_semaphore, #tpu.memory_space<semaphore_mem>> -> memref<!tpu.dma_semaphore, #tpu.memory_space<semaphore_mem>>
        tpu.enqueue_indirect_dma source(%dma_start3A_303 : memref<10000x128xf32, #tpu.memory_space<hbm>>) target(%dma_start3A_297 : memref<80x128xf32, #tpu.memory_space<vmem>>) offsets(%dma_start3A_300 : memref<80xi32, #tpu.memory_space<vmem>>) semaphore(%dma_start3A_305 : memref<!tpu.dma_semaphore, #tpu.memory_space<semaphore_mem>>)
      } else {
      }
      %add3A_112 = arith.constant 2 : i32
      %add3A_113 = arith.addi %scan3A_83, %add3A_112 : i32
      %lt3A_114 = arith.constant 125 : i32
      %lt3A_115 = arith.cmpi slt, %add3A_113, %lt3A_114 : i32
      %convert_element_type3A_116 = arith.extui %lt3A_115 : i1 to i32
      %cond3A_117 = arith.constant 0 : i32
      %cond3A_118 = arith.cmpi ne, %convert_element_type3A_116, %cond3A_117 : i32
      scf.if %cond3A_118 {
        %add3A_260 = arith.constant 2 : i32
        %add3A_261 = arith.addi %scan3A_83, %add3A_260 : i32
        %dma_start3A_262 = arith.constant 0 : i32
        %dma_start3A_263 = tpu.memref_slice %arg16[%rem3A_99, %dma_start3A_262] : memref<3x80xi32, #tpu.memory_space<vmem>> -> memref<1x80xi32, #tpu.memory_space<vmem>>
        %dma_start3A_264 = tpu.memref_squeeze %dma_start3A_263 : memref<1x80xi32, #tpu.memory_space<vmem>> -> memref<80xi32, #tpu.memory_space<vmem>>
        %dma_start3A_265 = arith.constant 0 : i32
        %dma_start3A_266 = tpu.memref_slice %arg5[%add3A, %add3A_261, %dma_start3A_265] : memref<64x125x80xi32, #tpu.memory_space<hbm>> -> memref<1x1x80xi32, #tpu.memory_space<hbm>>
        %dma_start3A_267 = tpu.memref_squeeze %dma_start3A_266 : memref<1x1x80xi32, #tpu.memory_space<hbm>> -> memref<80xi32, #tpu.memory_space<hbm>>
        %dma_start3A_268 = tpu.memref_slice %arg23[%rem3A_99] : memref<3x!tpu.dma_semaphore, #tpu.memory_space<semaphore_mem>> -> memref<1x!tpu.dma_semaphore, #tpu.memory_space<semaphore_mem>>
        %dma_start3A_269 = tpu.memref_squeeze %dma_start3A_268 : memref<1x!tpu.dma_semaphore, #tpu.memory_space<semaphore_mem>> -> memref<!tpu.dma_semaphore, #tpu.memory_space<semaphore_mem>>
        %dma_start3A_270 = arith.constant 0 : i32
        %dma_start3A_271 = tpu.memref_slice %arg16[%rem3A_99, %dma_start3A_270] : memref<3x80xi32, #tpu.memory_space<vmem>> -> memref<1x80xi32, #tpu.memory_space<vmem>>
        %dma_start3A_272 = tpu.memref_squeeze %dma_start3A_271 : memref<1x80xi32, #tpu.memory_space<vmem>> -> memref<80xi32, #tpu.memory_space<vmem>>
        %dma_start3A_273 = arith.constant 0 : i32
        %dma_start3A_274 = tpu.memref_slice %arg5[%add3A, %add3A_261, %dma_start3A_273] : memref<64x125x80xi32, #tpu.memory_space<hbm>> -> memref<1x1x80xi32, #tpu.memory_space<hbm>>
        %dma_start3A_275 = tpu.memref_squeeze %dma_start3A_274 : memref<1x1x80xi32, #tpu.memory_space<hbm>> -> memref<80xi32, #tpu.memory_space<hbm>>
        tpu.enqueue_dma source(%dma_start3A_275 : memref<80xi32, #tpu.memory_space<hbm>>) target(%dma_start3A_272 : memref<80xi32, #tpu.memory_space<vmem>>) target_semaphore(%dma_start3A_269 : memref<!tpu.dma_semaphore, #tpu.memory_space<semaphore_mem>>)
        %add3A_276 = arith.constant 32 : i32
        %add3A_277 = arith.addi %add3A_276, %add3A : i32
        %dma_start3A_278 = arith.constant 0 : i32
        %dma_start3A_279 = tpu.memref_slice %arg17[%rem3A_99, %dma_start3A_278] : memref<3x80xi32, #tpu.memory_space<vmem>> -> memref<1x80xi32, #tpu.memory_space<vmem>>
        %dma_start3A_280 = tpu.memref_squeeze %dma_start3A_279 : memref<1x80xi32, #tpu.memory_space<vmem>> -> memref<80xi32, #tpu.memory_space<vmem>>
        %dma_start3A_281 = arith.constant 0 : i32
        %dma_start3A_282 = tpu.memref_slice %arg5[%add3A_277, %add3A_261, %dma_start3A_281] : memref<64x125x80xi32, #tpu.memory_space<hbm>> -> memref<1x1x80xi32, #tpu.memory_space<hbm>>
        %dma_start3A_283 = tpu.memref_squeeze %dma_start3A_282 : memref<1x1x80xi32, #tpu.memory_space<hbm>> -> memref<80xi32, #tpu.memory_space<hbm>>
        %dma_start3A_284 = tpu.memref_slice %arg23[%rem3A_99] : memref<3x!tpu.dma_semaphore, #tpu.memory_space<semaphore_mem>> -> memref<1x!tpu.dma_semaphore, #tpu.memory_space<semaphore_mem>>
        %dma_start3A_285 = tpu.memref_squeeze %dma_start3A_284 : memref<1x!tpu.dma_semaphore, #tpu.memory_space<semaphore_mem>> -> memref<!tpu.dma_semaphore, #tpu.memory_space<semaphore_mem>>
        %dma_start3A_286 = arith.constant 0 : i32
        %dma_start3A_287 = tpu.memref_slice %arg17[%rem3A_99, %dma_start3A_286] : memref<3x80xi32, #tpu.memory_space<vmem>> -> memref<1x80xi32, #tpu.memory_space<vmem>>
        %dma_start3A_288 = tpu.memref_squeeze %dma_start3A_287 : memref<1x80xi32, #tpu.memory_space<vmem>> -> memref<80xi32, #tpu.memory_space<vmem>>
        %dma_start3A_289 = arith.constant 0 : i32
        %dma_start3A_290 = tpu.memref_slice %arg5[%add3A_277, %add3A_261, %dma_start3A_289] : memref<64x125x80xi32, #tpu.memory_space<hbm>> -> memref<1x1x80xi32, #tpu.memory_space<hbm>>
        %dma_start3A_291 = tpu.memref_squeeze %dma_start3A_290 : memref<1x1x80xi32, #tpu.memory_space<hbm>> -> memref<80xi32, #tpu.memory_space<hbm>>
        tpu.enqueue_dma source(%dma_start3A_291 : memref<80xi32, #tpu.memory_space<hbm>>) target(%dma_start3A_288 : memref<80xi32, #tpu.memory_space<vmem>>) target_semaphore(%dma_start3A_285 : memref<!tpu.dma_semaphore, #tpu.memory_space<semaphore_mem>>)
      } else {
      }
      %ge3A_119 = arith.constant 2 : i32
      %ge3A_120 = arith.cmpi sge, %scan3A_83, %ge3A_119 : i32
      %convert_element_type3A_121 = arith.extui %ge3A_120 : i1 to i32
      %cond3A_122 = arith.constant 0 : i32
      %cond3A_123 = arith.cmpi ne, %convert_element_type3A_121, %cond3A_122 : i32
      scf.if %cond3A_123 {
        %dma_wait3A_260 = arith.constant 0 : i32
        %dma_wait3A_261 = tpu.memref_slice %arg19[%rem3A_85, %dma_wait3A_260] : memref<2x80xf32, #tpu.memory_space<vmem>> -> memref<1x80xf32, #tpu.memory_space<vmem>>
        %dma_wait3A_262 = tpu.memref_squeeze %dma_wait3A_261 : memref<1x80xf32, #tpu.memory_space<vmem>> -> memref<80xf32, #tpu.memory_space<vmem>>
        %dma_wait3A_263 = arith.constant 0 : i32
        %dma_wait3A_264 = tpu.memref_slice %arg18[%rem3A_85, %dma_wait3A_263] : memref<2x80xi32, #tpu.memory_space<vmem>> -> memref<1x80xi32, #tpu.memory_space<vmem>>
        %dma_wait3A_265 = tpu.memref_squeeze %dma_wait3A_264 : memref<1x80xi32, #tpu.memory_space<vmem>> -> memref<80xi32, #tpu.memory_space<vmem>>
        %dma_wait3A_266 = arith.constant 0 : i32
        %dma_wait3A_267 = tpu.memref_slice %arg12[%dma_wait3A_266] : memref<10000xf32, #tpu.memory_space<vmem_shared>> -> memref<10000xf32, #tpu.memory_space<vmem_shared>>
        %dma_wait3A_268 = tpu.memref_slice %arg24[%rem3A_85] : memref<2x!tpu.dma_semaphore, #tpu.memory_space<semaphore_mem>> -> memref<1x!tpu.dma_semaphore, #tpu.memory_space<semaphore_mem>>
        %dma_wait3A_269 = tpu.memref_squeeze %dma_wait3A_268 : memref<1x!tpu.dma_semaphore, #tpu.memory_space<semaphore_mem>> -> memref<!tpu.dma_semaphore, #tpu.memory_space<semaphore_mem>>
        tpu.wait_indirect_dma semaphore(%dma_wait3A_269 : memref<!tpu.dma_semaphore, #tpu.memory_space<semaphore_mem>>) src(%dma_wait3A_262 : memref<80xf32, #tpu.memory_space<vmem>>) dst(%dma_wait3A_267 : memref<10000xf32, #tpu.memory_space<vmem_shared>>)
      } else {
      }
      %get3A_124 = arith.index_cast %rem3A_91 : i32 to index
      %get3A_125 = arith.constant 0 : index
      %get3A_126 = tpu.vector_load %arg17[%get3A_124, %get3A_125] {strides = array<i32>} : memref<3x80xi32, #tpu.memory_space<vmem>>, vector<16xi32>,
      %get3A_127 = arith.index_cast %rem3A_91 : i32 to index
      %get3A_128 = arith.constant 0 : index
      %get3A_129 = tpu.vector_load %arg16[%get3A_127, %get3A_128] {strides = array<i32>} : memref<3x80xi32, #tpu.memory_space<vmem>>, vector<16xi32>,
      %gather3A = tpu.vector_load_idx %arg13[%get3A_129] : memref<10000xf32, #tpu.memory_space<vmem>>[vector<16xi32>], vector<16xf32>,
      %gather3A_130 = tpu.vector_load_idx %arg14[%get3A_126] : memref<10000xf32, #tpu.memory_space<vmem>>[vector<16xi32>], vector<16xf32>,
      %add3A_131 = arith.addf %gather3A, %gather3A_130 : vector<16xf32>
      %mul3A_132 = arith.constant 2.000000e-01 : f32
      %mul3A_133 = vector.broadcast %mul3A_132 : f32 to vector<16xf32>
      %mul3A_134 = arith.mulf %mul3A_133, %add3A_131 : vector<16xf32>
      %max3A = arith.maximumf %add3A_131, %mul3A_134 : vector<16xf32>
      %sub3A = arith.subf %max3A, %get3A_7 : vector<16xf32>
      %exp3A = math.exp %sub3A : vector<16xf32>
      %swap3A = arith.index_cast %rem3A_85 : i32 to index
      %swap3A_135 = arith.constant 0 : index
      %swap3A_136 = tpu.vector_load %arg19[%swap3A, %swap3A_135] {strides = array<i32>} : memref<2x80xf32, #tpu.memory_space<vmem>>, vector<16xf32>,
      tpu.vector_store %arg19[%swap3A, %swap3A_135], %exp3A {strides = array<i32>} : memref<2x80xf32, #tpu.memory_space<vmem>>, vector<16xf32>,
      %swap3A_137 = arith.index_cast %rem3A_85 : i32 to index
      %swap3A_138 = arith.constant 0 : index
      %swap3A_139 = tpu.vector_load %arg18[%swap3A_137, %swap3A_138] {strides = array<i32>} : memref<2x80xi32, #tpu.memory_space<vmem>>, vector<16xi32>,
      tpu.vector_store %arg18[%swap3A_137, %swap3A_138], %get3A_126 {strides = array<i32>} : memref<2x80xi32, #tpu.memory_space<vmem>>, vector<16xi32>,
      %get3A_140 = arith.index_cast %rem3A_91 : i32 to index
      %get3A_141 = arith.constant 16 : index
      %get3A_142 = tpu.vector_load %arg17[%get3A_140, %get3A_141] {strides = array<i32>} : memref<3x80xi32, #tpu.memory_space<vmem>>, vector<16xi32>,
      %get3A_143 = arith.index_cast %rem3A_91 : i32 to index
      %get3A_144 = arith.constant 16 : index
      %get3A_145 = tpu.vector_load %arg16[%get3A_143, %get3A_144] {strides = array<i32>} : memref<3x80xi32, #tpu.memory_space<vmem>>, vector<16xi32>,
      %gather3A_146 = tpu.vector_load_idx %arg13[%get3A_145] : memref<10000xf32, #tpu.memory_space<vmem>>[vector<16xi32>], vector<16xf32>,
      %gather3A_147 = tpu.vector_load_idx %arg14[%get3A_142] : memref<10000xf32, #tpu.memory_space<vmem>>[vector<16xi32>], vector<16xf32>,
      %add3A_148 = arith.addf %gather3A_146, %gather3A_147 : vector<16xf32>
      %mul3A_149 = arith.constant 2.000000e-01 : f32
      %mul3A_150 = vector.broadcast %mul3A_149 : f32 to vector<16xf32>
      %mul3A_151 = arith.mulf %mul3A_150, %add3A_148 : vector<16xf32>
      %max3A_152 = arith.maximumf %add3A_148, %mul3A_151 : vector<16xf32>
      %sub3A_153 = arith.subf %max3A_152, %get3A_7 : vector<16xf32>
      %exp3A_154 = math.exp %sub3A_153 : vector<16xf32>
      %swap3A_155 = arith.index_cast %rem3A_85 : i32 to index
      %swap3A_156 = arith.constant 16 : index
      %swap3A_157 = tpu.vector_load %arg19[%swap3A_155, %swap3A_156] {strides = array<i32>} : memref<2x80xf32, #tpu.memory_space<vmem>>, vector<16xf32>,
      tpu.vector_store %arg19[%swap3A_155, %swap3A_156], %exp3A_154 {strides = array<i32>} : memref<2x80xf32, #tpu.memory_space<vmem>>, vector<16xf32>,
      %swap3A_158 = arith.index_cast %rem3A_85 : i32 to index
      %swap3A_159 = arith.constant 16 : index
      %swap3A_160 = tpu.vector_load %arg18[%swap3A_158, %swap3A_159] {strides = array<i32>} : memref<2x80xi32, #tpu.memory_space<vmem>>, vector<16xi32>,
      tpu.vector_store %arg18[%swap3A_158, %swap3A_159], %get3A_142 {strides = array<i32>} : memref<2x80xi32, #tpu.memory_space<vmem>>, vector<16xi32>,
      %get3A_161 = arith.index_cast %rem3A_91 : i32 to index
      %get3A_162 = arith.constant 32 : index
      %get3A_163 = tpu.vector_load %arg17[%get3A_161, %get3A_162] {strides = array<i32>} : memref<3x80xi32, #tpu.memory_space<vmem>>, vector<16xi32>,
      %get3A_164 = arith.index_cast %rem3A_91 : i32 to index
      %get3A_165 = arith.constant 32 : index
      %get3A_166 = tpu.vector_load %arg16[%get3A_164, %get3A_165] {strides = array<i32>} : memref<3x80xi32, #tpu.memory_space<vmem>>, vector<16xi32>,
      %gather3A_167 = tpu.vector_load_idx %arg13[%get3A_166] : memref<10000xf32, #tpu.memory_space<vmem>>[vector<16xi32>], vector<16xf32>,
      %gather3A_168 = tpu.vector_load_idx %arg14[%get3A_163] : memref<10000xf32, #tpu.memory_space<vmem>>[vector<16xi32>], vector<16xf32>,
      %add3A_169 = arith.addf %gather3A_167, %gather3A_168 : vector<16xf32>
      %mul3A_170 = arith.constant 2.000000e-01 : f32
      %mul3A_171 = vector.broadcast %mul3A_170 : f32 to vector<16xf32>
      %mul3A_172 = arith.mulf %mul3A_171, %add3A_169 : vector<16xf32>
      %max3A_173 = arith.maximumf %add3A_169, %mul3A_172 : vector<16xf32>
      %sub3A_174 = arith.subf %max3A_173, %get3A_7 : vector<16xf32>
      %exp3A_175 = math.exp %sub3A_174 : vector<16xf32>
      %swap3A_176 = arith.index_cast %rem3A_85 : i32 to index
      %swap3A_177 = arith.constant 32 : index
      %swap3A_178 = tpu.vector_load %arg19[%swap3A_176, %swap3A_177] {strides = array<i32>} : memref<2x80xf32, #tpu.memory_space<vmem>>, vector<16xf32>,
      tpu.vector_store %arg19[%swap3A_176, %swap3A_177], %exp3A_175 {strides = array<i32>} : memref<2x80xf32, #tpu.memory_space<vmem>>, vector<16xf32>,
      %swap3A_179 = arith.index_cast %rem3A_85 : i32 to index
      %swap3A_180 = arith.constant 32 : index
      %swap3A_181 = tpu.vector_load %arg18[%swap3A_179, %swap3A_180] {strides = array<i32>} : memref<2x80xi32, #tpu.memory_space<vmem>>, vector<16xi32>,
      tpu.vector_store %arg18[%swap3A_179, %swap3A_180], %get3A_163 {strides = array<i32>} : memref<2x80xi32, #tpu.memory_space<vmem>>, vector<16xi32>,
      %get3A_182 = arith.index_cast %rem3A_91 : i32 to index
      %get3A_183 = arith.constant 48 : index
      %get3A_184 = tpu.vector_load %arg17[%get3A_182, %get3A_183] {strides = array<i32>} : memref<3x80xi32, #tpu.memory_space<vmem>>, vector<16xi32>,
      %get3A_185 = arith.index_cast %rem3A_91 : i32 to index
      %get3A_186 = arith.constant 48 : index
      %get3A_187 = tpu.vector_load %arg16[%get3A_185, %get3A_186] {strides = array<i32>} : memref<3x80xi32, #tpu.memory_space<vmem>>, vector<16xi32>,
      %gather3A_188 = tpu.vector_load_idx %arg13[%get3A_187] : memref<10000xf32, #tpu.memory_space<vmem>>[vector<16xi32>], vector<16xf32>,
      %gather3A_189 = tpu.vector_load_idx %arg14[%get3A_184] : memref<10000xf32, #tpu.memory_space<vmem>>[vector<16xi32>], vector<16xf32>,
      %add3A_190 = arith.addf %gather3A_188, %gather3A_189 : vector<16xf32>
      %mul3A_191 = arith.constant 2.000000e-01 : f32
      %mul3A_192 = vector.broadcast %mul3A_191 : f32 to vector<16xf32>
      %mul3A_193 = arith.mulf %mul3A_192, %add3A_190 : vector<16xf32>
      %max3A_194 = arith.maximumf %add3A_190, %mul3A_193 : vector<16xf32>
      %sub3A_195 = arith.subf %max3A_194, %get3A_7 : vector<16xf32>
      %exp3A_196 = math.exp %sub3A_195 : vector<16xf32>
      %swap3A_197 = arith.index_cast %rem3A_85 : i32 to index
      %swap3A_198 = arith.constant 48 : index
      %swap3A_199 = tpu.vector_load %arg19[%swap3A_197, %swap3A_198] {strides = array<i32>} : memref<2x80xf32, #tpu.memory_space<vmem>>, vector<16xf32>,
      tpu.vector_store %arg19[%swap3A_197, %swap3A_198], %exp3A_196 {strides = array<i32>} : memref<2x80xf32, #tpu.memory_space<vmem>>, vector<16xf32>,
      %swap3A_200 = arith.index_cast %rem3A_85 : i32 to index
      %swap3A_201 = arith.constant 48 : index
      %swap3A_202 = tpu.vector_load %arg18[%swap3A_200, %swap3A_201] {strides = array<i32>} : memref<2x80xi32, #tpu.memory_space<vmem>>, vector<16xi32>,
      tpu.vector_store %arg18[%swap3A_200, %swap3A_201], %get3A_184 {strides = array<i32>} : memref<2x80xi32, #tpu.memory_space<vmem>>, vector<16xi32>,
      %get3A_203 = arith.index_cast %rem3A_91 : i32 to index
      %get3A_204 = arith.constant 64 : index
      %get3A_205 = tpu.vector_load %arg17[%get3A_203, %get3A_204] {strides = array<i32>} : memref<3x80xi32, #tpu.memory_space<vmem>>, vector<16xi32>,
      %get3A_206 = arith.index_cast %rem3A_91 : i32 to index
      %get3A_207 = arith.constant 64 : index
      %get3A_208 = tpu.vector_load %arg16[%get3A_206, %get3A_207] {strides = array<i32>} : memref<3x80xi32, #tpu.memory_space<vmem>>, vector<16xi32>,
      %gather3A_209 = tpu.vector_load_idx %arg13[%get3A_208] : memref<10000xf32, #tpu.memory_space<vmem>>[vector<16xi32>], vector<16xf32>,
      %gather3A_210 = tpu.vector_load_idx %arg14[%get3A_205] : memref<10000xf32, #tpu.memory_space<vmem>>[vector<16xi32>], vector<16xf32>,
      %add3A_211 = arith.addf %gather3A_209, %gather3A_210 : vector<16xf32>
      %mul3A_212 = arith.constant 2.000000e-01 : f32
      %mul3A_213 = vector.broadcast %mul3A_212 : f32 to vector<16xf32>
      %mul3A_214 = arith.mulf %mul3A_213, %add3A_211 : vector<16xf32>
      %max3A_215 = arith.maximumf %add3A_211, %mul3A_214 : vector<16xf32>
      %sub3A_216 = arith.subf %max3A_215, %get3A_7 : vector<16xf32>
      %exp3A_217 = math.exp %sub3A_216 : vector<16xf32>
      %swap3A_218 = arith.index_cast %rem3A_85 : i32 to index
      %swap3A_219 = arith.constant 64 : index
      %swap3A_220 = tpu.vector_load %arg19[%swap3A_218, %swap3A_219] {strides = array<i32>} : memref<2x80xf32, #tpu.memory_space<vmem>>, vector<16xf32>,
      tpu.vector_store %arg19[%swap3A_218, %swap3A_219], %exp3A_217 {strides = array<i32>} : memref<2x80xf32, #tpu.memory_space<vmem>>, vector<16xf32>,
      %swap3A_221 = arith.index_cast %rem3A_85 : i32 to index
      %swap3A_222 = arith.constant 64 : index
      %swap3A_223 = tpu.vector_load %arg18[%swap3A_221, %swap3A_222] {strides = array<i32>} : memref<2x80xi32, #tpu.memory_space<vmem>>, vector<16xi32>,
      tpu.vector_store %arg18[%swap3A_221, %swap3A_222], %get3A_205 {strides = array<i32>} : memref<2x80xi32, #tpu.memory_space<vmem>>, vector<16xi32>,
      %dma_start3A_224 = arith.constant 0 : i32
      %dma_start3A_225 = tpu.memref_slice %arg19[%rem3A_85, %dma_start3A_224] : memref<2x80xf32, #tpu.memory_space<vmem>> -> memref<1x80xf32, #tpu.memory_space<vmem>>
      %dma_start3A_226 = tpu.memref_squeeze %dma_start3A_225 : memref<1x80xf32, #tpu.memory_space<vmem>> -> memref<80xf32, #tpu.memory_space<vmem>>
      %dma_start3A_227 = arith.constant 0 : i32
      %dma_start3A_228 = tpu.memref_slice %arg18[%rem3A_85, %dma_start3A_227] : memref<2x80xi32, #tpu.memory_space<vmem>> -> memref<1x80xi32, #tpu.memory_space<vmem>>
      %dma_start3A_229 = tpu.memref_squeeze %dma_start3A_228 : memref<1x80xi32, #tpu.memory_space<vmem>> -> memref<80xi32, #tpu.memory_space<vmem>>
      %dma_start3A_230 = arith.constant 0 : i32
      %dma_start3A_231 = tpu.memref_slice %arg12[%dma_start3A_230] : memref<10000xf32, #tpu.memory_space<vmem_shared>> -> memref<10000xf32, #tpu.memory_space<vmem_shared>>
      %dma_start3A_232 = tpu.memref_slice %arg24[%rem3A_85] : memref<2x!tpu.dma_semaphore, #tpu.memory_space<semaphore_mem>> -> memref<1x!tpu.dma_semaphore, #tpu.memory_space<semaphore_mem>>
      %dma_start3A_233 = tpu.memref_squeeze %dma_start3A_232 : memref<1x!tpu.dma_semaphore, #tpu.memory_space<semaphore_mem>> -> memref<!tpu.dma_semaphore, #tpu.memory_space<semaphore_mem>>
      tpu.enqueue_indirect_dma source(%dma_start3A_226 : memref<80xf32, #tpu.memory_space<vmem>>) target(%dma_start3A_231 : memref<10000xf32, #tpu.memory_space<vmem_shared>>) offsets(%dma_start3A_229 : memref<80xi32, #tpu.memory_space<vmem>>) semaphore(%dma_start3A_233 : memref<!tpu.dma_semaphore, #tpu.memory_space<semaphore_mem>>) {add = true}
      %dma_wait3A_234 = arith.constant 0 : i32
      %dma_wait3A_235 = arith.constant 0 : i32
      %dma_wait3A_236 = tpu.memref_slice %arg20[%rem3A_85, %dma_wait3A_234, %dma_wait3A_235] : memref<2x80x128xf32, #tpu.memory_space<vmem>> -> memref<1x80x128xf32, #tpu.memory_space<vmem>>
      %dma_wait3A_237 = tpu.memref_squeeze %dma_wait3A_236 : memref<1x80x128xf32, #tpu.memory_space<vmem>> -> memref<80x128xf32, #tpu.memory_space<vmem>>
      %dma_wait3A_238 = arith.constant 0 : i32
      %dma_wait3A_239 = tpu.memref_slice %arg16[%rem3A_91, %dma_wait3A_238] : memref<3x80xi32, #tpu.memory_space<vmem>> -> memref<1x80xi32, #tpu.memory_space<vmem>>
      %dma_wait3A_240 = tpu.memref_squeeze %dma_wait3A_239 : memref<1x80xi32, #tpu.memory_space<vmem>> -> memref<80xi32, #tpu.memory_space<vmem>>
      %dma_wait3A_241 = arith.constant 0 : i32
      %dma_wait3A_242 = arith.constant 0 : i32
      %dma_wait3A_243 = tpu.memref_slice %arg2[%dma_wait3A_241, %dma_wait3A_242] : memref<10000x128xf32, #tpu.memory_space<hbm>> -> memref<10000x128xf32, #tpu.memory_space<hbm>>
      %dma_wait3A_244 = tpu.memref_slice %arg21[%rem3A_85] : memref<2x!tpu.dma_semaphore, #tpu.memory_space<semaphore_mem>> -> memref<1x!tpu.dma_semaphore, #tpu.memory_space<semaphore_mem>>
      %dma_wait3A_245 = tpu.memref_squeeze %dma_wait3A_244 : memref<1x!tpu.dma_semaphore, #tpu.memory_space<semaphore_mem>> -> memref<!tpu.dma_semaphore, #tpu.memory_space<semaphore_mem>>
      tpu.wait_indirect_dma semaphore(%dma_wait3A_245 : memref<!tpu.dma_semaphore, #tpu.memory_space<semaphore_mem>>) src(%dma_wait3A_243 : memref<10000x128xf32, #tpu.memory_space<hbm>>) dst(%dma_wait3A_237 : memref<80x128xf32, #tpu.memory_space<vmem>>)
      %parallel_loop3A = arith.constant 0 : i32
      %parallel_loop3A_246 = arith.constant 80 : i32
      %parallel_loop3A_247 = arith.constant 1 : i32
      scf.for %parallel_loop3A_260 = %parallel_loop3A to %parallel_loop3A_246 step %parallel_loop3A_247  : i32 {
        %parallel_loop3A_261 = arith.constant 0 : i32
        %parallel_loop3A_262 = vector.broadcast %parallel_loop3A_261 : i32 to vector<16xi32>
        %parallel_loop3A_263 = vector.broadcast %parallel_loop3A_260 : i32 to vector<16xi32>
        %parallel_loop3A_264 = arith.addi %parallel_loop3A_262, %parallel_loop3A_263 : vector<16xi32>
        %parallel_loop3A_265 = arith.constant 0 : i32
        %parallel_loop3A_266 = tpu.memref_slice %arg19[%rem3A_85, %parallel_loop3A_265] : memref<2x80xf32, #tpu.memory_space<vmem>> -> memref<1x80xf32, #tpu.memory_space<vmem>>
        %parallel_loop3A_267 = tpu.memref_squeeze %parallel_loop3A_266 : memref<1x80xf32, #tpu.memory_space<vmem>> -> memref<80xf32, #tpu.memory_space<vmem>>
        %parallel_loop3A_268 = tpu.vector_load_idx %parallel_loop3A_267[%parallel_loop3A_264] : memref<80xf32, #tpu.memory_space<vmem>>[vector<16xi32>], vector<16xf32>,
        %parallel_loop3A_269 = arith.index_cast %rem3A_85 : i32 to index
        %parallel_loop3A_270 = arith.index_cast %parallel_loop3A_260 : i32 to index
        %parallel_loop3A_271 = arith.constant 0 : index
        %parallel_loop3A_272 = tpu.vector_load %arg20[%parallel_loop3A_269, %parallel_loop3A_270, %parallel_loop3A_271] {strides = array<i32>} : memref<2x80x128xf32, #tpu.memory_space<vmem>>, vector<16xf32>,
        %parallel_loop3A_273 = arith.mulf %parallel_loop3A_272, %parallel_loop3A_268 : vector<16xf32>
        %parallel_loop3A_274 = arith.index_cast %rem3A_85 : i32 to index
        %parallel_loop3A_275 = arith.index_cast %parallel_loop3A_260 : i32 to index
        %parallel_loop3A_276 = arith.constant 0 : index
        %parallel_loop3A_277 = tpu.vector_load %arg20[%parallel_loop3A_274, %parallel_loop3A_275, %parallel_loop3A_276] {strides = array<i32>} : memref<2x80x128xf32, #tpu.memory_space<vmem>>, vector<16xf32>,
        tpu.vector_store %arg20[%parallel_loop3A_274, %parallel_loop3A_275, %parallel_loop3A_276], %parallel_loop3A_273 {strides = array<i32>} : memref<2x80x128xf32, #tpu.memory_space<vmem>>, vector<16xf32>,
        %parallel_loop3A_278 = arith.index_cast %rem3A_85 : i32 to index
        %parallel_loop3A_279 = arith.index_cast %parallel_loop3A_260 : i32 to index
        %parallel_loop3A_280 = arith.constant 16 : index
        %parallel_loop3A_281 = tpu.vector_load %arg20[%parallel_loop3A_278, %parallel_loop3A_279, %parallel_loop3A_280] {strides = array<i32>} : memref<2x80x128xf32, #tpu.memory_space<vmem>>, vector<16xf32>,
        %parallel_loop3A_282 = arith.mulf %parallel_loop3A_281, %parallel_loop3A_268 : vector<16xf32>
        %parallel_loop3A_283 = arith.index_cast %rem3A_85 : i32 to index
        %parallel_loop3A_284 = arith.index_cast %parallel_loop3A_260 : i32 to index
        %parallel_loop3A_285 = arith.constant 16 : index
        %parallel_loop3A_286 = tpu.vector_load %arg20[%parallel_loop3A_283, %parallel_loop3A_284, %parallel_loop3A_285] {strides = array<i32>} : memref<2x80x128xf32, #tpu.memory_space<vmem>>, vector<16xf32>,
        tpu.vector_store %arg20[%parallel_loop3A_283, %parallel_loop3A_284, %parallel_loop3A_285], %parallel_loop3A_282 {strides = array<i32>} : memref<2x80x128xf32, #tpu.memory_space<vmem>>, vector<16xf32>,
        %parallel_loop3A_287 = arith.index_cast %rem3A_85 : i32 to index
        %parallel_loop3A_288 = arith.index_cast %parallel_loop3A_260 : i32 to index
        %parallel_loop3A_289 = arith.constant 32 : index
        %parallel_loop3A_290 = tpu.vector_load %arg20[%parallel_loop3A_287, %parallel_loop3A_288, %parallel_loop3A_289] {strides = array<i32>} : memref<2x80x128xf32, #tpu.memory_space<vmem>>, vector<16xf32>,
        %parallel_loop3A_291 = arith.mulf %parallel_loop3A_290, %parallel_loop3A_268 : vector<16xf32>
        %parallel_loop3A_292 = arith.index_cast %rem3A_85 : i32 to index
        %parallel_loop3A_293 = arith.index_cast %parallel_loop3A_260 : i32 to index
        %parallel_loop3A_294 = arith.constant 32 : index
        %parallel_loop3A_295 = tpu.vector_load %arg20[%parallel_loop3A_292, %parallel_loop3A_293, %parallel_loop3A_294] {strides = array<i32>} : memref<2x80x128xf32, #tpu.memory_space<vmem>>, vector<16xf32>,
        tpu.vector_store %arg20[%parallel_loop3A_292, %parallel_loop3A_293, %parallel_loop3A_294], %parallel_loop3A_291 {strides = array<i32>} : memref<2x80x128xf32, #tpu.memory_space<vmem>>, vector<16xf32>,
        %parallel_loop3A_296 = arith.index_cast %rem3A_85 : i32 to index
        %parallel_loop3A_297 = arith.index_cast %parallel_loop3A_260 : i32 to index
        %parallel_loop3A_298 = arith.constant 48 : index
        %parallel_loop3A_299 = tpu.vector_load %arg20[%parallel_loop3A_296, %parallel_loop3A_297, %parallel_loop3A_298] {strides = array<i32>} : memref<2x80x128xf32, #tpu.memory_space<vmem>>, vector<16xf32>,
        %parallel_loop3A_300 = arith.mulf %parallel_loop3A_299, %parallel_loop3A_268 : vector<16xf32>
        %parallel_loop3A_301 = arith.index_cast %rem3A_85 : i32 to index
        %parallel_loop3A_302 = arith.index_cast %parallel_loop3A_260 : i32 to index
        %parallel_loop3A_303 = arith.constant 48 : index
        %parallel_loop3A_304 = tpu.vector_load %arg20[%parallel_loop3A_301, %parallel_loop3A_302, %parallel_loop3A_303] {strides = array<i32>} : memref<2x80x128xf32, #tpu.memory_space<vmem>>, vector<16xf32>,
        tpu.vector_store %arg20[%parallel_loop3A_301, %parallel_loop3A_302, %parallel_loop3A_303], %parallel_loop3A_300 {strides = array<i32>} : memref<2x80x128xf32, #tpu.memory_space<vmem>>, vector<16xf32>,
        %parallel_loop3A_305 = arith.index_cast %rem3A_85 : i32 to index
        %parallel_loop3A_306 = arith.index_cast %parallel_loop3A_260 : i32 to index
        %parallel_loop3A_307 = arith.constant 64 : index
        %parallel_loop3A_308 = tpu.vector_load %arg20[%parallel_loop3A_305, %parallel_loop3A_306, %parallel_loop3A_307] {strides = array<i32>} : memref<2x80x128xf32, #tpu.memory_space<vmem>>, vector<16xf32>,
        %parallel_loop3A_309 = arith.mulf %parallel_loop3A_308, %parallel_loop3A_268 : vector<16xf32>
        %parallel_loop3A_310 = arith.index_cast %rem3A_85 : i32 to index
        %parallel_loop3A_311 = arith.index_cast %parallel_loop3A_260 : i32 to index
        %parallel_loop3A_312 = arith.constant 64 : index
        %parallel_loop3A_313 = tpu.vector_load %arg20[%parallel_loop3A_310, %parallel_loop3A_311, %parallel_loop3A_312] {strides = array<i32>} : memref<2x80x128xf32, #tpu.memory_space<vmem>>, vector<16xf32>,
        tpu.vector_store %arg20[%parallel_loop3A_310, %parallel_loop3A_311, %parallel_loop3A_312], %parallel_loop3A_309 {strides = array<i32>} : memref<2x80x128xf32, #tpu.memory_space<vmem>>, vector<16xf32>,
        %parallel_loop3A_314 = arith.index_cast %rem3A_85 : i32 to index
        %parallel_loop3A_315 = arith.index_cast %parallel_loop3A_260 : i32 to index
        %parallel_loop3A_316 = arith.constant 80 : index
        %parallel_loop3A_317 = tpu.vector_load %arg20[%parallel_loop3A_314, %parallel_loop3A_315, %parallel_loop3A_316] {strides = array<i32>} : memref<2x80x128xf32, #tpu.memory_space<vmem>>, vector<16xf32>,
        %parallel_loop3A_318 = arith.mulf %parallel_loop3A_317, %parallel_loop3A_268 : vector<16xf32>
        %parallel_loop3A_319 = arith.index_cast %rem3A_85 : i32 to index
        %parallel_loop3A_320 = arith.index_cast %parallel_loop3A_260 : i32 to index
        %parallel_loop3A_321 = arith.constant 80 : index
        %parallel_loop3A_322 = tpu.vector_load %arg20[%parallel_loop3A_319, %parallel_loop3A_320, %parallel_loop3A_321] {strides = array<i32>} : memref<2x80x128xf32, #tpu.memory_space<vmem>>, vector<16xf32>,
        tpu.vector_store %arg20[%parallel_loop3A_319, %parallel_loop3A_320, %parallel_loop3A_321], %parallel_loop3A_318 {strides = array<i32>} : memref<2x80x128xf32, #tpu.memory_space<vmem>>, vector<16xf32>,
        %parallel_loop3A_323 = arith.index_cast %rem3A_85 : i32 to index
        %parallel_loop3A_324 = arith.index_cast %parallel_loop3A_260 : i32 to index
        %parallel_loop3A_325 = arith.constant 96 : index
        %parallel_loop3A_326 = tpu.vector_load %arg20[%parallel_loop3A_323, %parallel_loop3A_324, %parallel_loop3A_325] {strides = array<i32>} : memref<2x80x128xf32, #tpu.memory_space<vmem>>, vector<16xf32>,
        %parallel_loop3A_327 = arith.mulf %parallel_loop3A_326, %parallel_loop3A_268 : vector<16xf32>
        %parallel_loop3A_328 = arith.index_cast %rem3A_85 : i32 to index
        %parallel_loop3A_329 = arith.index_cast %parallel_loop3A_260 : i32 to index
        %parallel_loop3A_330 = arith.constant 96 : index
        %parallel_loop3A_331 = tpu.vector_load %arg20[%parallel_loop3A_328, %parallel_loop3A_329, %parallel_loop3A_330] {strides = array<i32>} : memref<2x80x128xf32, #tpu.memory_space<vmem>>, vector<16xf32>,
        tpu.vector_store %arg20[%parallel_loop3A_328, %parallel_loop3A_329, %parallel_loop3A_330], %parallel_loop3A_327 {strides = array<i32>} : memref<2x80x128xf32, #tpu.memory_space<vmem>>, vector<16xf32>,
        %parallel_loop3A_332 = arith.index_cast %rem3A_85 : i32 to index
        %parallel_loop3A_333 = arith.index_cast %parallel_loop3A_260 : i32 to index
        %parallel_loop3A_334 = arith.constant 112 : index
        %parallel_loop3A_335 = tpu.vector_load %arg20[%parallel_loop3A_332, %parallel_loop3A_333, %parallel_loop3A_334] {strides = array<i32>} : memref<2x80x128xf32, #tpu.memory_space<vmem>>, vector<16xf32>,
        %parallel_loop3A_336 = arith.mulf %parallel_loop3A_335, %parallel_loop3A_268 : vector<16xf32>
        %parallel_loop3A_337 = arith.index_cast %rem3A_85 : i32 to index
        %parallel_loop3A_338 = arith.index_cast %parallel_loop3A_260 : i32 to index
        %parallel_loop3A_339 = arith.constant 112 : index
        %parallel_loop3A_340 = tpu.vector_load %arg20[%parallel_loop3A_337, %parallel_loop3A_338, %parallel_loop3A_339] {strides = array<i32>} : memref<2x80x128xf32, #tpu.memory_space<vmem>>, vector<16xf32>,
        tpu.vector_store %arg20[%parallel_loop3A_337, %parallel_loop3A_338, %parallel_loop3A_339], %parallel_loop3A_336 {strides = array<i32>} : memref<2x80x128xf32, #tpu.memory_space<vmem>>, vector<16xf32>,
      } {sc.loop_unroll_factor = 8 : i64, sc.parallel_access}
      %dma_start3A_248 = arith.constant 0 : i32
      %dma_start3A_249 = arith.constant 0 : i32
      %dma_start3A_250 = tpu.memref_slice %arg20[%rem3A_85, %dma_start3A_248, %dma_start3A_249] : memref<2x80x128xf32, #tpu.memory_space<vmem>> -> memref<1x80x128xf32, #tpu.memory_space<vmem>>
      %dma_start3A_251 = tpu.memref_squeeze %dma_start3A_250 : memref<1x80x128xf32, #tpu.memory_space<vmem>> -> memref<80x128xf32, #tpu.memory_space<vmem>>
      %dma_start3A_252 = arith.constant 0 : i32
      %dma_start3A_253 = tpu.memref_slice %arg17[%rem3A_91, %dma_start3A_252] : memref<3x80xi32, #tpu.memory_space<vmem>> -> memref<1x80xi32, #tpu.memory_space<vmem>>
      %dma_start3A_254 = tpu.memref_squeeze %dma_start3A_253 : memref<1x80xi32, #tpu.memory_space<vmem>> -> memref<80xi32, #tpu.memory_space<vmem>>
      %dma_start3A_255 = arith.constant 0 : i32
      %dma_start3A_256 = arith.constant 0 : i32
      %dma_start3A_257 = tpu.memref_slice %arg11[%dma_start3A_255, %dma_start3A_256] : memref<10000x128xf32, #tpu.memory_space<vmem_shared>> -> memref<10000x128xf32, #tpu.memory_space<vmem_shared>>
      %dma_start3A_258 = tpu.memref_slice %arg22[%rem3A_85] : memref<2x!tpu.dma_semaphore, #tpu.memory_space<semaphore_mem>> -> memref<1x!tpu.dma_semaphore, #tpu.memory_space<semaphore_mem>>
      %dma_start3A_259 = tpu.memref_squeeze %dma_start3A_258 : memref<1x!tpu.dma_semaphore, #tpu.memory_space<semaphore_mem>> -> memref<!tpu.dma_semaphore, #tpu.memory_space<semaphore_mem>>
      tpu.enqueue_indirect_dma source(%dma_start3A_251 : memref<80x128xf32, #tpu.memory_space<vmem>>) target(%dma_start3A_257 : memref<10000x128xf32, #tpu.memory_space<vmem_shared>>) offsets(%dma_start3A_254 : memref<80xi32, #tpu.memory_space<vmem>>) semaphore(%dma_start3A_259 : memref<!tpu.dma_semaphore, #tpu.memory_space<semaphore_mem>>) {add = true}
    }
    %scan3A_37 = arith.constant 125 : i32
    %rem3A = arith.constant 124 : i32
    %rem3A_38 = arith.constant 3 : i32
    %rem3A_39 = arith.remsi %rem3A, %rem3A_38 : i32
    %rem3A_40 = arith.constant 124 : i32
    %rem3A_41 = arith.constant 2 : i32
    %rem3A_42 = arith.remsi %rem3A_40, %rem3A_41 : i32
    %dma_wait3A = arith.constant 0 : i32
    %dma_wait3A_43 = arith.constant 0 : i32
    %dma_wait3A_44 = tpu.memref_slice %arg20[%rem3A_42, %dma_wait3A, %dma_wait3A_43] : memref<2x80x128xf32, #tpu.memory_space<vmem>> -> memref<1x80x128xf32, #tpu.memory_space<vmem>>
    %dma_wait3A_45 = tpu.memref_squeeze %dma_wait3A_44 : memref<1x80x128xf32, #tpu.memory_space<vmem>> -> memref<80x128xf32, #tpu.memory_space<vmem>>
    %dma_wait3A_46 = arith.constant 0 : i32
    %dma_wait3A_47 = tpu.memref_slice %arg17[%rem3A_39, %dma_wait3A_46] : memref<3x80xi32, #tpu.memory_space<vmem>> -> memref<1x80xi32, #tpu.memory_space<vmem>>
    %dma_wait3A_48 = tpu.memref_squeeze %dma_wait3A_47 : memref<1x80xi32, #tpu.memory_space<vmem>> -> memref<80xi32, #tpu.memory_space<vmem>>
    %dma_wait3A_49 = arith.constant 0 : i32
    %dma_wait3A_50 = arith.constant 0 : i32
    %dma_wait3A_51 = tpu.memref_slice %arg11[%dma_wait3A_49, %dma_wait3A_50] : memref<10000x128xf32, #tpu.memory_space<vmem_shared>> -> memref<10000x128xf32, #tpu.memory_space<vmem_shared>>
    %dma_wait3A_52 = tpu.memref_slice %arg22[%rem3A_42] : memref<2x!tpu.dma_semaphore, #tpu.memory_space<semaphore_mem>> -> memref<1x!tpu.dma_semaphore, #tpu.memory_space<semaphore_mem>>
    %dma_wait3A_53 = tpu.memref_squeeze %dma_wait3A_52 : memref<1x!tpu.dma_semaphore, #tpu.memory_space<semaphore_mem>> -> memref<!tpu.dma_semaphore, #tpu.memory_space<semaphore_mem>>
    tpu.wait_indirect_dma semaphore(%dma_wait3A_53 : memref<!tpu.dma_semaphore, #tpu.memory_space<semaphore_mem>>) src(%dma_wait3A_45 : memref<80x128xf32, #tpu.memory_space<vmem>>) dst(%dma_wait3A_51 : memref<10000x128xf32, #tpu.memory_space<vmem_shared>>)
    %rem3A_54 = arith.constant 124 : i32
    %rem3A_55 = arith.constant 2 : i32
    %rem3A_56 = arith.remsi %rem3A_54, %rem3A_55 : i32
    %dma_wait3A_57 = arith.constant 0 : i32
    %dma_wait3A_58 = tpu.memref_slice %arg19[%rem3A_56, %dma_wait3A_57] : memref<2x80xf32, #tpu.memory_space<vmem>> -> memref<1x80xf32, #tpu.memory_space<vmem>>
    %dma_wait3A_59 = tpu.memref_squeeze %dma_wait3A_58 : memref<1x80xf32, #tpu.memory_space<vmem>> -> memref<80xf32, #tpu.memory_space<vmem>>
    %dma_wait3A_60 = arith.constant 0 : i32
    %dma_wait3A_61 = tpu.memref_slice %arg18[%rem3A_56, %dma_wait3A_60] : memref<2x80xi32, #tpu.memory_space<vmem>> -> memref<1x80xi32, #tpu.memory_space<vmem>>
    %dma_wait3A_62 = tpu.memref_squeeze %dma_wait3A_61 : memref<1x80xi32, #tpu.memory_space<vmem>> -> memref<80xi32, #tpu.memory_space<vmem>>
    %dma_wait3A_63 = arith.constant 0 : i32
    %dma_wait3A_64 = tpu.memref_slice %arg12[%dma_wait3A_63] : memref<10000xf32, #tpu.memory_space<vmem_shared>> -> memref<10000xf32, #tpu.memory_space<vmem_shared>>
    %dma_wait3A_65 = tpu.memref_slice %arg24[%rem3A_56] : memref<2x!tpu.dma_semaphore, #tpu.memory_space<semaphore_mem>> -> memref<1x!tpu.dma_semaphore, #tpu.memory_space<semaphore_mem>>
    %dma_wait3A_66 = tpu.memref_squeeze %dma_wait3A_65 : memref<1x!tpu.dma_semaphore, #tpu.memory_space<semaphore_mem>> -> memref<!tpu.dma_semaphore, #tpu.memory_space<semaphore_mem>>
    tpu.wait_indirect_dma semaphore(%dma_wait3A_66 : memref<!tpu.dma_semaphore, #tpu.memory_space<semaphore_mem>>) src(%dma_wait3A_59 : memref<80xf32, #tpu.memory_space<vmem>>) dst(%dma_wait3A_64 : memref<10000xf32, #tpu.memory_space<vmem_shared>>)
    %ge3A = arith.constant 125 : i32
    %ge3A_67 = arith.constant 2 : i32
    %ge3A_68 = arith.cmpi sge, %ge3A, %ge3A_67 : i32
    %convert_element_type3A_69 = arith.extui %ge3A_68 : i1 to i32
    %cond3A_70 = arith.constant 0 : i32
    %cond3A_71 = arith.cmpi ne, %convert_element_type3A_69, %cond3A_70 : i32
    scf.if %cond3A_71 {
      %rem3A_83 = arith.constant 123 : i32
      %rem3A_84 = arith.constant 2 : i32
      %rem3A_85 = arith.remsi %rem3A_83, %rem3A_84 : i32
      %dma_wait3A_86 = arith.constant 0 : i32
      %dma_wait3A_87 = tpu.memref_slice %arg19[%rem3A_85, %dma_wait3A_86] : memref<2x80xf32, #tpu.memory_space<vmem>> -> memref<1x80xf32, #tpu.memory_space<vmem>>
      %dma_wait3A_88 = tpu.memref_squeeze %dma_wait3A_87 : memref<1x80xf32, #tpu.memory_space<vmem>> -> memref<80xf32, #tpu.memory_space<vmem>>
      %dma_wait3A_89 = arith.constant 0 : i32
      %dma_wait3A_90 = tpu.memref_slice %arg18[%rem3A_85, %dma_wait3A_89] : memref<2x80xi32, #tpu.memory_space<vmem>> -> memref<1x80xi32, #tpu.memory_space<vmem>>
      %dma_wait3A_91 = tpu.memref_squeeze %dma_wait3A_90 : memref<1x80xi32, #tpu.memory_space<vmem>> -> memref<80xi32, #tpu.memory_space<vmem>>
      %dma_wait3A_92 = arith.constant 0 : i32
      %dma_wait3A_93 = tpu.memref_slice %arg12[%dma_wait3A_92] : memref<10000xf32, #tpu.memory_space<vmem_shared>> -> memref<10000xf32, #tpu.memory_space<vmem_shared>>
      %dma_wait3A_94 = tpu.memref_slice %arg24[%rem3A_85] : memref<2x!tpu.dma_semaphore, #tpu.memory_space<semaphore_mem>> -> memref<1x!tpu.dma_semaphore, #tpu.memory_space<semaphore_mem>>
      %dma_wait3A_95 = tpu.memref_squeeze %dma_wait3A_94 : memref<1x!tpu.dma_semaphore, #tpu.memory_space<semaphore_mem>> -> memref<!tpu.dma_semaphore, #tpu.memory_space<semaphore_mem>>
      tpu.wait_indirect_dma semaphore(%dma_wait3A_95 : memref<!tpu.dma_semaphore, #tpu.memory_space<semaphore_mem>>) src(%dma_wait3A_88 : memref<80xf32, #tpu.memory_space<vmem>>) dst(%dma_wait3A_93 : memref<10000xf32, #tpu.memory_space<vmem_shared>>)
    } else {
    }
    %barrier3A_72 = arith.constant 0 : index
    tpu.barrier barrier_id(%barrier3A_72)
    %lt3A_73 = arith.constant 10 : i32
    %lt3A_74 = arith.cmpi slt, %arg1, %lt3A_73 : i32
    %convert_element_type3A_75 = arith.extui %lt3A_74 : i1 to i32
    %cond3A_76 = arith.constant 0 : i32
    %cond3A_77 = arith.cmpi ne, %convert_element_type3A_75, %cond3A_76 : i32
    scf.if %cond3A_77 {
      %mul3A_83 = arith.constant 1000 : i32
      %mul3A_84 = arith.muli %arg1, %mul3A_83 : i32
      %mul3A_85 = arith.constant 1000 : i32
      %mul3A_86 = arith.muli %arg1, %mul3A_85 : i32
      "tpu.region"() ({
        %run_scoped3A_87 = tpu.sem_alloc : memref<!tpu.dma_semaphore, #tpu.memory_space<semaphore_mem>>
        %dma_start3A_88 = arith.constant 0 : i32
        %dma_start3A_89 = tpu.memref_slice %arg9[%arg0, %mul3A_86, %dma_start3A_88] : memref<2x10000x128xf32, #tpu.memory_space<hbm>> -> memref<1x1000x128xf32, #tpu.memory_space<hbm>>
        %dma_start3A_90 = tpu.memref_squeeze %dma_start3A_89 : memref<1x1000x128xf32, #tpu.memory_space<hbm>> -> memref<1000x128xf32, #tpu.memory_space<hbm>>
        %dma_start3A_91 = arith.constant 0 : i32
        %dma_start3A_92 = tpu.memref_slice %arg11[%mul3A_84, %dma_start3A_91] : memref<10000x128xf32, #tpu.memory_space<vmem_shared>> -> memref<1000x128xf32, #tpu.memory_space<vmem_shared>>
        tpu.enqueue_dma source(%dma_start3A_92 : memref<1000x128xf32, #tpu.memory_space<vmem_shared>>) target(%dma_start3A_90 : memref<1000x128xf32, #tpu.memory_space<hbm>>) target_semaphore(%run_scoped3A_87 : memref<!tpu.dma_semaphore, #tpu.memory_space<semaphore_mem>>)
        %dma_wait3A_93 = arith.constant 0 : i32
        %dma_wait3A_94 = tpu.memref_slice %arg9[%arg0, %mul3A_86, %dma_wait3A_93] : memref<2x10000x128xf32, #tpu.memory_space<hbm>> -> memref<1x1000x128xf32, #tpu.memory_space<hbm>>
        %dma_wait3A_95 = tpu.memref_squeeze %dma_wait3A_94 : memref<1x1000x128xf32, #tpu.memory_space<hbm>> -> memref<1000x128xf32, #tpu.memory_space<hbm>>
        %dma_wait3A_96 = arith.constant 0 : i32
        %dma_wait3A_97 = tpu.memref_slice %arg11[%mul3A_84, %dma_wait3A_96] : memref<10000x128xf32, #tpu.memory_space<vmem_shared>> -> memref<1000x128xf32, #tpu.memory_space<vmem_shared>>
        tpu.wait_dma2 semaphore(%run_scoped3A_87 : memref<!tpu.dma_semaphore, #tpu.memory_space<semaphore_mem>>) src(%dma_wait3A_97 : memref<1000x128xf32, #tpu.memory_space<vmem_shared>>) dst(%dma_wait3A_95 : memref<1000x128xf32, #tpu.memory_space<hbm>>)
        tpu.yield
      }) : () -> ()
    } else {
    }
    %eq3A_78 = arith.constant 0 : i32
    %eq3A_79 = arith.cmpi eq, %arg1, %eq3A_78 : i32
    %convert_element_type3A_80 = arith.extui %eq3A_79 : i1 to i32
    %cond3A_81 = arith.constant 0 : i32
    %cond3A_82 = arith.cmpi ne, %convert_element_type3A_80, %cond3A_81 : i32
    scf.if %cond3A_82 {
      "tpu.region"() ({
        %run_scoped3A_83 = tpu.sem_alloc : memref<!tpu.dma_semaphore, #tpu.memory_space<semaphore_mem>>
        %dma_start3A_84 = arith.constant 0 : i32
        %dma_start3A_85 = tpu.memref_slice %arg10[%arg0, %dma_start3A_84] : memref<2x10000xf32, #tpu.memory_space<hbm>> -> memref<1x10000xf32, #tpu.memory_space<hbm>>
        %dma_start3A_86 = tpu.memref_squeeze %dma_start3A_85 : memref<1x10000xf32, #tpu.memory_space<hbm>> -> memref<10000xf32, #tpu.memory_space<hbm>>
        tpu.enqueue_dma source(%arg12 : memref<10000xf32, #tpu.memory_space<vmem_shared>>) target(%dma_start3A_86 : memref<10000xf32, #tpu.memory_space<hbm>>) target_semaphore(%run_scoped3A_83 : memref<!tpu.dma_semaphore, #tpu.memory_space<semaphore_mem>>)
        %dma_wait3A_87 = arith.constant 0 : i32
        %dma_wait3A_88 = tpu.memref_slice %arg10[%arg0, %dma_wait3A_87] : memref<2x10000xf32, #tpu.memory_space<hbm>> -> memref<1x10000xf32, #tpu.memory_space<hbm>>
        %dma_wait3A_89 = tpu.memref_squeeze %dma_wait3A_88 : memref<1x10000xf32, #tpu.memory_space<hbm>> -> memref<10000xf32, #tpu.memory_space<hbm>>
        tpu.wait_dma2 semaphore(%run_scoped3A_83 : memref<!tpu.dma_semaphore, #tpu.memory_space<semaphore_mem>>) src(%arg12 : memref<10000xf32, #tpu.memory_space<vmem_shared>>) dst(%dma_wait3A_89 : memref<10000xf32, #tpu.memory_space<hbm>>)
        tpu.yield
      }) : () -> ()
    } else {
    }
    return
  }
}

module attributes {stable_mosaic.version = 14 : i64} {
  func.func @_proj_body(%arg0: i32, %arg1: memref<2000x128xf32, #tpu.memory_space<vmem>>, %arg2: memref<128x128xf32, #tpu.memory_space<vmem>>, %arg3: memref<1x128xf32, #tpu.memory_space<vmem>>, %arg4: memref<1x128xf32, #tpu.memory_space<vmem>>, %arg5: memref<2000x128xf32, #tpu.memory_space<vmem>>, %arg6: memref<2000x1xf32, #tpu.memory_space<vmem>>, %arg7: memref<2000x1xf32, #tpu.memory_space<vmem>>, %arg8: memref<1x1xf32, #tpu.memory_space<smem>>, %arg9: memref<1x1xf32, #tpu.memory_space<smem>>, %arg10: memref<1x16xf32, #tpu.memory_space<vmem>>) attributes {dimension_semantics = [#tpu.dimension_semantics<arbitrary>], iteration_bounds = array<i64: 5>, scalar_prefetch = 0 : i64, scratch_operands = 0 : i64, tpu.core_type = #tpu.core_type<tc>, window_params = [{transform_indices = @transform_0, window_bounds = array<i64: 2000, 128>}, {pipeline_mode = #tpu.pipeline_mode<synchronous>, transform_indices = @transform_1, window_bounds = array<i64: 128, 128>}, {pipeline_mode = #tpu.pipeline_mode<synchronous>, transform_indices = @transform_2, window_bounds = array<i64: 1, 128>}, {pipeline_mode = #tpu.pipeline_mode<synchronous>, transform_indices = @transform_3, window_bounds = array<i64: 1, 128>}, {transform_indices = @transform_4, window_bounds = array<i64: 2000, 128>}, {transform_indices = @transform_5, window_bounds = array<i64: 2000, 1>}, {transform_indices = @transform_6, window_bounds = array<i64: 2000, 1>}, {transform_indices = @transform_7, window_bounds = array<i64: 1, 1>}, {transform_indices = @transform_8, window_bounds = array<i64: 1, 1>}, {pipeline_mode = #tpu.pipeline_mode<synchronous>, transform_indices = @transform_9, window_bounds = array<i64: 1, 16>}]} {
    %get3A = arith.constant 0 : index
    %get3A_0 = arith.constant 0 : index
    %get3A_1 = vector.load %arg1[%get3A, %get3A_0] : memref<2000x128xf32, #tpu.memory_space<vmem>>, vector<2000x128xf32>
    %get3A_2 = arith.constant 0 : index
    %get3A_3 = arith.constant 0 : index
    %get3A_4 = vector.load %arg2[%get3A_2, %get3A_3] : memref<128x128xf32, #tpu.memory_space<vmem>>, vector<128x128xf32>
    %dot_general3A = arith.constant dense<0.000000e+00> : vector<2000x128xf32>
    %dot_general3A_5 = tpu.matmul %get3A_1, %get3A_4, %dot_general3A {dimension_numbers = #tpu.dot_dimension_numbers<[1], [0], [0], [1], [0, 0, 1, 1], [], []>, transpose_lhs_hint = false} : vector<2000x128xf32>, vector<128x128xf32>, vector<2000x128xf32> -> vector<2000x128xf32>
    %swap3A = arith.constant 0 : index
    %swap3A_6 = arith.constant 0 : index
    %swap3A_7 = vector.load %arg5[%swap3A, %swap3A_6] : memref<2000x128xf32, #tpu.memory_space<vmem>>, vector<2000x128xf32>
    tpu.vector_store %arg5[%swap3A, %swap3A_6], %dot_general3A_5 {strides = array<i32>} : memref<2000x128xf32, #tpu.memory_space<vmem>>, vector<2000x128xf32>,
    %get3A_8 = arith.constant 0 : index
    %get3A_9 = arith.constant 0 : index
    %get3A_10 = vector.load %arg3[%get3A_8, %get3A_9] : memref<1x128xf32, #tpu.memory_space<vmem>>, vector<1x128xf32>
    %mul3A = vector.broadcast %get3A_10 : vector<1x128xf32> to vector<2000x128xf32>
    %mul3A_11 = arith.mulf %dot_general3A_5, %mul3A : vector<2000x128xf32>
    %reduce_sum3A = arith.constant dense<0.000000e+00> : vector<2000xf32>
    %reduce_sum3A_12 = vector.multi_reduction <add>, %mul3A_11, %reduce_sum3A [1] : vector<2000x128xf32> to vector<2000xf32>
    %broadcast_in_dim3A = vector.shape_cast %reduce_sum3A_12 : vector<2000xf32> to vector<2000x1xf32>
    %get3A_13 = arith.constant 0 : index
    %get3A_14 = arith.constant 0 : index
    %get3A_15 = vector.load %arg4[%get3A_13, %get3A_14] : memref<1x128xf32, #tpu.memory_space<vmem>>, vector<1x128xf32>
    %mul3A_16 = vector.broadcast %get3A_15 : vector<1x128xf32> to vector<2000x128xf32>
    %mul3A_17 = arith.mulf %dot_general3A_5, %mul3A_16 : vector<2000x128xf32>
    %reduce_sum3A_18 = arith.constant dense<0.000000e+00> : vector<2000xf32>
    %reduce_sum3A_19 = vector.multi_reduction <add>, %mul3A_17, %reduce_sum3A_18 [1] : vector<2000x128xf32> to vector<2000xf32>
    %broadcast_in_dim3A_20 = vector.shape_cast %reduce_sum3A_19 : vector<2000xf32> to vector<2000x1xf32>
    %swap3A_21 = arith.constant 0 : index
    %swap3A_22 = arith.constant 0 : index
    %swap3A_23 = vector.load %arg6[%swap3A_21, %swap3A_22] : memref<2000x1xf32, #tpu.memory_space<vmem>>, vector<2000x1xf32>
    tpu.vector_store %arg6[%swap3A_21, %swap3A_22], %broadcast_in_dim3A {strides = array<i32>} : memref<2000x1xf32, #tpu.memory_space<vmem>>, vector<2000x1xf32>,
    %swap3A_24 = arith.constant 0 : index
    %swap3A_25 = arith.constant 0 : index
    %swap3A_26 = vector.load %arg7[%swap3A_24, %swap3A_25] : memref<2000x1xf32, #tpu.memory_space<vmem>>, vector<2000x1xf32>
    tpu.vector_store %arg7[%swap3A_24, %swap3A_25], %broadcast_in_dim3A_20 {strides = array<i32>} : memref<2000x1xf32, #tpu.memory_space<vmem>>, vector<2000x1xf32>,
    %reduce_max3A = vector.shape_cast %broadcast_in_dim3A : vector<2000x1xf32> to vector<1x2000x1xf32>
    %reduce_max3A_27 = arith.constant dense<0xFF800000> : vector<1xf32>
    %reduce_max3A_28 = vector.multi_reduction <maximumf>, %reduce_max3A, %reduce_max3A_27 [1, 2] : vector<1x2000x1xf32> to vector<1xf32>
    %reduce_max3A_29 = vector.shape_cast %reduce_max3A_28 : vector<1xf32> to vector<1x1x1xf32>
    %reduce_max3A_30 = vector.extract %reduce_max3A_29[0, 0, 0] : f32 from vector<1x1x1xf32>
    %reduce_max3A_31 = vector.shape_cast %broadcast_in_dim3A_20 : vector<2000x1xf32> to vector<1x2000x1xf32>
    %reduce_max3A_32 = arith.constant dense<0xFF800000> : vector<1xf32>
    %reduce_max3A_33 = vector.multi_reduction <maximumf>, %reduce_max3A_31, %reduce_max3A_32 [1, 2] : vector<1x2000x1xf32> to vector<1xf32>
    %reduce_max3A_34 = vector.shape_cast %reduce_max3A_33 : vector<1xf32> to vector<1x1x1xf32>
    %reduce_max3A_35 = vector.extract %reduce_max3A_34[0, 0, 0] : f32 from vector<1x1x1xf32>
    %eq3A = arith.constant 0 : i32
    %eq3A_36 = arith.cmpi eq, %arg0, %eq3A : i32
    %convert_element_type3A = arith.extui %eq3A_36 : i1 to i32
    %cond3A = arith.constant 0 : i32
    %cond3A_37 = arith.cmpi ne, %convert_element_type3A, %cond3A : i32
    scf.if %cond3A_37 {
      %swap3A_47 = arith.constant 0 : index
      %swap3A_48 = arith.constant 0 : index
      %swap3A_49 = memref.load %arg8[%swap3A_47, %swap3A_48] : memref<1x1xf32, #tpu.memory_space<smem>>
      memref.store %reduce_max3A_30, %arg8[%swap3A_47, %swap3A_48] : memref<1x1xf32, #tpu.memory_space<smem>>
      %swap3A_50 = arith.constant 0 : index
      %swap3A_51 = arith.constant 0 : index
      %swap3A_52 = memref.load %arg9[%swap3A_50, %swap3A_51] : memref<1x1xf32, #tpu.memory_space<smem>>
      memref.store %reduce_max3A_35, %arg9[%swap3A_50, %swap3A_51] : memref<1x1xf32, #tpu.memory_space<smem>>
    } else {
    }
    %gt3A = arith.constant 0 : i32
    %gt3A_38 = arith.cmpi sgt, %arg0, %gt3A : i32
    %convert_element_type3A_39 = arith.extui %gt3A_38 : i1 to i32
    %cond3A_40 = arith.constant 0 : i32
    %cond3A_41 = arith.cmpi ne, %convert_element_type3A_39, %cond3A_40 : i32
    scf.if %cond3A_41 {
      %get3A_47 = arith.constant 0 : index
      %get3A_48 = arith.constant 0 : index
      %get3A_49 = memref.load %arg8[%get3A_47, %get3A_48] : memref<1x1xf32, #tpu.memory_space<smem>>
      %max3A = arith.maximumf %get3A_49, %reduce_max3A_30 : f32
      %swap3A_50 = arith.constant 0 : index
      %swap3A_51 = arith.constant 0 : index
      %swap3A_52 = memref.load %arg8[%swap3A_50, %swap3A_51] : memref<1x1xf32, #tpu.memory_space<smem>>
      memref.store %max3A, %arg8[%swap3A_50, %swap3A_51] : memref<1x1xf32, #tpu.memory_space<smem>>
      %get3A_53 = arith.constant 0 : index
      %get3A_54 = arith.constant 0 : index
      %get3A_55 = memref.load %arg9[%get3A_53, %get3A_54] : memref<1x1xf32, #tpu.memory_space<smem>>
      %max3A_56 = arith.maximumf %get3A_55, %reduce_max3A_35 : f32
      %swap3A_57 = arith.constant 0 : index
      %swap3A_58 = arith.constant 0 : index
      %swap3A_59 = memref.load %arg9[%swap3A_57, %swap3A_58] : memref<1x1xf32, #tpu.memory_space<smem>>
      memref.store %max3A_56, %arg9[%swap3A_57, %swap3A_58] : memref<1x1xf32, #tpu.memory_space<smem>>
    } else {
    }
    %eq3A_42 = arith.constant 4 : i32
    %eq3A_43 = arith.cmpi eq, %arg0, %eq3A_42 : i32
    %convert_element_type3A_44 = arith.extui %eq3A_43 : i1 to i32
    %cond3A_45 = arith.constant 0 : i32
    %cond3A_46 = arith.cmpi ne, %convert_element_type3A_44, %cond3A_45 : i32
    scf.if %cond3A_46 {
      %get3A_47 = arith.constant 0 : index
      %get3A_48 = arith.constant 0 : index
      %get3A_49 = memref.load %arg8[%get3A_47, %get3A_48] : memref<1x1xf32, #tpu.memory_space<smem>>
      %get3A_50 = arith.constant 0 : index
      %get3A_51 = arith.constant 0 : index
      %get3A_52 = memref.load %arg9[%get3A_50, %get3A_51] : memref<1x1xf32, #tpu.memory_space<smem>>
      %add3A = arith.addf %get3A_49, %get3A_52 : f32
      %mul3A_53 = arith.constant 2.000000e-01 : f32
      %mul3A_54 = arith.mulf %mul3A_53, %add3A : f32
      %max3A = arith.maximumf %add3A, %mul3A_54 : f32
      %broadcast_in_dim3A_55 = vector.broadcast %max3A : f32 to vector<1x16xf32>
      %swap3A_56 = arith.constant 0 : index
      %swap3A_57 = arith.constant 0 : index
      %swap3A_58 = vector.load %arg10[%swap3A_56, %swap3A_57] : memref<1x16xf32, #tpu.memory_space<vmem>>, vector<1x16xf32>
      tpu.vector_store %arg10[%swap3A_56, %swap3A_57], %broadcast_in_dim3A_55 {strides = array<i32>} : memref<1x16xf32, #tpu.memory_space<vmem>>, vector<1x16xf32>,
    } else {
    }
    return
  }
  func.func @transform_0(%arg0: i32) -> (i32, i32) {
    %c0_i32 = arith.constant 0 : i32
    %c0_i32_0 = arith.constant 0 : i32
    return %arg0, %c0_i32 : i32, i32
  }
  func.func @transform_1(%arg0: i32) -> (i32, i32) {
    %c0_i32 = arith.constant 0 : i32
    %c0_i32_0 = arith.constant 0 : i32
    %c0_i32_1 = arith.constant 0 : i32
    return %c0_i32, %c0_i32_0 : i32, i32
  }
  func.func @transform_2(%arg0: i32) -> (i32, i32) {
    %c0_i32 = arith.constant 0 : i32
    %c0_i32_0 = arith.constant 0 : i32
    %c0_i32_1 = arith.constant 0 : i32
    return %c0_i32, %c0_i32_0 : i32, i32
  }
  func.func @transform_3(%arg0: i32) -> (i32, i32) {
    %c0_i32 = arith.constant 0 : i32
    %c0_i32_0 = arith.constant 0 : i32
    %c0_i32_1 = arith.constant 0 : i32
    return %c0_i32, %c0_i32_0 : i32, i32
  }
  func.func @transform_4(%arg0: i32) -> (i32, i32) {
    %c0_i32 = arith.constant 0 : i32
    %c0_i32_0 = arith.constant 0 : i32
    return %arg0, %c0_i32 : i32, i32
  }
  func.func @transform_5(%arg0: i32) -> (i32, i32) {
    %c0_i32 = arith.constant 0 : i32
    %c0_i32_0 = arith.constant 0 : i32
    return %arg0, %c0_i32 : i32, i32
  }
  func.func @transform_6(%arg0: i32) -> (i32, i32) {
    %c0_i32 = arith.constant 0 : i32
    %c0_i32_0 = arith.constant 0 : i32
    return %arg0, %c0_i32 : i32, i32
  }
  func.func @transform_7(%arg0: i32) -> (i32, i32) {
    %c0_i32 = arith.constant 0 : i32
    %c0_i32_0 = arith.constant 0 : i32
    %c0_i32_1 = arith.constant 0 : i32
    return %c0_i32, %c0_i32_0 : i32, i32
  }
  func.func @transform_8(%arg0: i32) -> (i32, i32) {
    %c0_i32 = arith.constant 0 : i32
    %c0_i32_0 = arith.constant 0 : i32
    %c0_i32_1 = arith.constant 0 : i32
    return %c0_i32, %c0_i32_0 : i32, i32
  }
  func.func @transform_9(%arg0: i32) -> (i32, i32) {
    %c0_i32 = arith.constant 0 : i32
    %c0_i32_0 = arith.constant 0 : i32
    %c0_i32_1 = arith.constant 0 : i32
    return %c0_i32, %c0_i32_0 : i32, i32
  }
}

module attributes {stable_mosaic.version = 14 : i64} {
  func.func @_combine_body(%arg0: i32, %arg1: memref<2x2000x128xf32, #tpu.memory_space<vmem>>, %arg2: memref<2x2000x1xf32, #tpu.memory_space<vmem>>, %arg3: memref<1x128xf32, #tpu.memory_space<vmem>>, %arg4: memref<2000x128xf32, #tpu.memory_space<vmem>>) attributes {dimension_semantics = [#tpu.dimension_semantics<arbitrary>], iteration_bounds = array<i64: 5>, scalar_prefetch = 0 : i64, scratch_operands = 0 : i64, tpu.core_type = #tpu.core_type<tc>, window_params = [{transform_indices = @transform_0, window_bounds = array<i64: 2, 2000, 128>}, {transform_indices = @transform_1, window_bounds = array<i64: 2, 2000, 1>}, {pipeline_mode = #tpu.pipeline_mode<synchronous>, transform_indices = @transform_2, window_bounds = array<i64: 1, 128>}, {transform_indices = @transform_3, window_bounds = array<i64: 2000, 128>}]} {
    %get3A = arith.constant 0 : index
    %get3A_0 = arith.constant 0 : index
    %get3A_1 = arith.constant 0 : index
    %get3A_2 = vector.load %arg1[%get3A, %get3A_0, %get3A_1] : memref<2x2000x128xf32, #tpu.memory_space<vmem>>, vector<1x2000x128xf32>
    %get3A_3 = vector.shape_cast %get3A_2 : vector<1x2000x128xf32> to vector<2000x128xf32>
    %get3A_4 = arith.constant 1 : index
    %get3A_5 = arith.constant 0 : index
    %get3A_6 = arith.constant 0 : index
    %get3A_7 = vector.load %arg1[%get3A_4, %get3A_5, %get3A_6] : memref<2x2000x128xf32, #tpu.memory_space<vmem>>, vector<1x2000x128xf32>
    %get3A_8 = vector.shape_cast %get3A_7 : vector<1x2000x128xf32> to vector<2000x128xf32>
    %add3A = arith.addf %get3A_3, %get3A_8 : vector<2000x128xf32>
    %get3A_9 = arith.constant 0 : index
    %get3A_10 = arith.constant 0 : index
    %get3A_11 = arith.constant 0 : index
    %get3A_12 = vector.load %arg2[%get3A_9, %get3A_10, %get3A_11] : memref<2x2000x1xf32, #tpu.memory_space<vmem>>, vector<2x2000x1xf32>
    %reduce_sum3A = arith.constant dense<0.000000e+00> : vector<2000x1xf32>
    %reduce_sum3A_13 = vector.multi_reduction <add>, %get3A_12, %reduce_sum3A [0] : vector<2x2000x1xf32> to vector<2000x1xf32>
    %gt3A = arith.constant 0.000000e+00 : f32
    %gt3A_14 = vector.broadcast %gt3A : f32 to vector<2000x1xf32>
    %gt3A_15 = arith.cmpf ogt, %reduce_sum3A_13, %gt3A_14 : vector<2000x1xf32>
    %gt3A_16 = arith.constant 0.000000e+00 : f32
    %gt3A_17 = vector.broadcast %gt3A_16 : f32 to vector<2000x1xf32>
    %gt3A_18 = arith.cmpf ogt, %reduce_sum3A_13, %gt3A_17 : vector<2000x1xf32>
    %jit3A = arith.constant 1.000000e+00 : f32
    %broadcast_in_dim3A = vector.broadcast %jit3A : f32 to vector<2000x1xf32>
    %select_n3A = arith.select %gt3A_18, %reduce_sum3A_13, %broadcast_in_dim3A : vector<2000x1xi1>, vector<2000x1xf32>
    %div3A = vector.broadcast %select_n3A : vector<2000x1xf32> to vector<2000x128xf32>
    %div3A_19 = arith.divf %add3A, %div3A : vector<2000x128xf32>
    %jit3A_20 = arith.constant 0.000000e+00 : f32
    %broadcast_in_dim3A_21 = vector.shape_cast %gt3A_15 : vector<2000x1xi1> to vector<2000x1xi1>
    %broadcast_in_dim3A_22 = vector.broadcast %broadcast_in_dim3A_21 : vector<2000x1xi1> to vector<2000x128xi1>
    %broadcast_in_dim3A_23 = vector.broadcast %jit3A_20 : f32 to vector<2000x128xf32>
    %select_n3A_24 = arith.select %broadcast_in_dim3A_22, %div3A_19, %broadcast_in_dim3A_23 : vector<2000x128xi1>, vector<2000x128xf32>
    %get3A_25 = arith.constant 0 : index
    %get3A_26 = arith.constant 0 : index
    %get3A_27 = vector.load %arg3[%get3A_25, %get3A_26] : memref<1x128xf32, #tpu.memory_space<vmem>>, vector<1x128xf32>
    %add3A_28 = vector.broadcast %get3A_27 : vector<1x128xf32> to vector<2000x128xf32>
    %add3A_29 = arith.addf %select_n3A_24, %add3A_28 : vector<2000x128xf32>
    %tanh3A = math.tanh %add3A_29 : vector<2000x128xf32>
    %swap3A = arith.constant 0 : index
    %swap3A_30 = arith.constant 0 : index
    %swap3A_31 = vector.load %arg4[%swap3A, %swap3A_30] : memref<2000x128xf32, #tpu.memory_space<vmem>>, vector<2000x128xf32>
    tpu.vector_store %arg4[%swap3A, %swap3A_30], %tanh3A {strides = array<i32>} : memref<2000x128xf32, #tpu.memory_space<vmem>>, vector<2000x128xf32>,
    return
  }
  func.func @transform_0(%arg0: i32) -> (i32, i32, i32) {
    %c0_i32 = arith.constant 0 : i32
    %c0_i32_0 = arith.constant 0 : i32
    %c0_i32_1 = arith.constant 0 : i32
    return %c0_i32, %arg0, %c0_i32_0 : i32, i32, i32
  }
  func.func @transform_1(%arg0: i32) -> (i32, i32, i32) {
    %c0_i32 = arith.constant 0 : i32
    %c0_i32_0 = arith.constant 0 : i32
    %c0_i32_1 = arith.constant 0 : i32
    return %c0_i32, %arg0, %c0_i32_0 : i32, i32, i32
  }
  func.func @transform_2(%arg0: i32) -> (i32, i32) {
    %c0_i32 = arith.constant 0 : i32
    %c0_i32_0 = arith.constant 0 : i32
    %c0_i32_1 = arith.constant 0 : i32
    return %c0_i32, %c0_i32_0 : i32, i32
  }
  func.func @transform_3(%arg0: i32) -> (i32, i32) {
    %c0_i32 = arith.constant 0 : i32
    %c0_i32_0 = arith.constant 0 : i32
    return %arg0, %c0_i32 : i32, i32
  }
}

</mosaic_0001>

<sc_bundles>
// kernel: kernel.5.cloned.1.call-start
scs
__scs_entry_jumppad:
0x0: {  	(pc) =	sbr.rel $0x88, $3  }
0x1: {  	(tag) =	ssettag $0x0;
	lr =	simm.s32 $0x1  }
0x2: {  	[smem:$0x3F9B] =	sst lr;
	_ =	strace $0xD0000000  }
0x3: {  	_ = 	snop  }
0x4: {  	_ = 	snop  }
0x5: {  	_ = 	snop  }
0x6: {  	_ = 	snop  }
0x7: {  	_ = 	snop  }
__scs_overlays_trampoline_lowered:
0x8: {  	[smem:$0x3FAA] =	sst s0  }
0x9: {  	[smem:$0x3FAB] =	sst s1  }
0xa: {  	[smem:$0x3FAC] =	sst s2  }
0xb: {  	[smem:$0x3FAD] =	sst s3  }
0xc: {  	[smem:$0x3FAE] =	sst s4  }
0xd: {  	[smem:$0x3FAF] =	sst s5  }
0xe: {  	[smem:$0x3FB0] =	sst s6  }
0xf: {  	[smem:$0x3FB1] =	sst s7  }
0x10: {  	[smem:$0x3FB2] =	sst s8  }
0x11: {  	[smem:$0x3FB3] =	sst s9;
	s0 =	simm.s32 @!p0 $0x0  }
0x12: {  	s1 =	sld [smem:$0x3F99];
	s0 =	simm.s32 @p0 $0x1  }
0x13: {  	[smem:$0x3FB4] =	sst s0;
	s0 =	simm.s32 @!p1 $0x0  }
0x14: {  	s2 =	sld [smem:$0x3F98];
	s0 =	simm.s32 @p1 $0x1  }
0x15: {  	[smem:$0x3FB5] =	sst s0;
	s0 =	simm.s32 @!p2 $0x0  }
0x16: {  	s3 =	sld [smem:$0x3FDB];
	s0 =	simm.s32 @p2 $0x1  }
0x17: {  	s4 =	simm.s32 $0x1BF5;
	[smem:$0x3FB7] =	sst s0  }
0x18: {  	s0 =	sld [smem:$0x3F9A];
	_ =	swait.ge [sflag:s4], $0x0  }
0x19: {  	s7 =	sld [smem:$0x3F9B]  }
0x1a: {  	s8 =	sadd.s32 $0xFFFFE003, lr  }
0x1b: {  	s9 =	sadd.s32 $0xFFFFFEF7, lr;
	s5 =	simm.s32 $0xFFFFFFFF;
	p2 =	slt.u32 s8, $0xFFFFF086  }
0x1c: {  	p1 =	slt.u32 s9, $0xF7A;
	s5 =	simm.s32 @!p2 $0x0  }
0x1d: {  	s5 =	simm.s32 @p1 $0x1;
	p0 =	seq.s32 s7, s2  }
0x1e: {  	s7 =	smul.u32 @!p0 $0xF7A, s2;
	p2 =	seq.s32 @!p0 s5, $0x0  }
0x1f: {  	s9 =	smul.u32 $0xF7A, s1;
	s8 =	simm.s32 @!p0 $0x1BF5;
	p2 =	por !p2, p0  }
0x20: {  	[sflag:s8] =	ssyncset.s32 @!p0 $0xFFFFF086;
	s6 =	sadd.s32 @!p0 s3, s7;
	s7 =	simm.s32 @!p0 $0x108  }
0x21: {  	s3 =	sadd.s32 s3, s9;
	s6 =	sadd.s32 @!p0 $0x88, s6;
	s7 =	simm.s32 @p2 $0x1082  }
0x22: {  	[simem:s7], [sflag:s8] =	dma.local @!p0 [hbm:s6], $0xF7A  }
0x23: {  	s9 =	sor.u32 $0xD0000000, s2;
	s6 =	simm.s32 $0x108;
	_ =	swait.ge @!p0 [sflag:s8], $0x0  }
0x24: {  	s3 =	sadd.s32 $0x88, s3;
	s6 =	simm.s32 @!p1 $0x1082;
	[sflag:s4] =	ssyncset.s32 $0xFFFFF086  }
0x25: {  	[simem:s6], [sflag:s4] =	dma.local [hbm:s3], $0xF7A  }
0x26: {  	[smem:$0x3F9B] =	sst s1;
	(tag) =	ssettag s2;
	_ =	strace s9  }
0x27: {  	s1 =	sld [smem:$0x3FAB]  }
0x28: {  	s2 =	sld [smem:$0x3FAC]  }
0x29: {  	s4 =	sld [smem:$0x3FAE]  }
0x2a: {  	p0 =	seq.s32 s5, $0x0;
	s5 =	sld [smem:$0x3FAF]  }
0x2b: {  	s6 =	sld [smem:$0x3FB0]  }
0x2c: {  	s7 =	sld [smem:$0x3FB1]  }
0x2d: {  	s3 =	simm.s32 $0x108;
	s8 =	sld [smem:$0x3FB2]  }
0x2e: {  	s3 =	simm.s32 @!p0 $0x1082;
	s9 =	sld [smem:$0x3FB3]  }
0x2f: {  	lr =	sadd.s32 s0, s3;
	s0 =	sld [smem:$0x3FAA]  }
0x30: {  	s3 =	sld [smem:$0x3FAD]  }
0x31: {  	[smem:$0x3FB6] =	sst s10  }
0x32: {  	s10 =	sld [smem:$0x3FB4];
	_ =	sdelay $0x3  }
0x33: {  	p0 =	seq.s32 s10, $0x1;
	s10 =	sld [smem:$0x3FB6];
	_ =	sdelay $0x3  }
0x34: {  	[smem:$0x3FB6] =	sst s10  }
0x35: {  	s10 =	sld [smem:$0x3FB5];
	_ =	sdelay $0x3  }
0x36: {  	p1 =	seq.s32 s10, $0x1;
	s10 =	sld [smem:$0x3FB6];
	_ =	sdelay $0x3  }
0x37: {  	[smem:$0x3FB6] =	sst s10  }
0x38: {  	s10 =	sld [smem:$0x3FB7]  }
0x39: {  	_ = 	snop;
	(pc) =	sbr.ind lr, $3  }
0x3a: {  	_ = 	snop  }
0x3b: {  	_ = 	snop  }
0x3c: {  	p2 =	seq.s32 s10, $0x1;
	s10 =	sld [smem:$0x3FB6]  }
0x3d: {  	_ =	shalt  }
0x3e: {  	_ =	shalt  }
0x3f: {  	_ =	shalt  }
0x40: {  	_ =	shalt  }
0x41: {  	_ =	shalt  }
0x42: {  	_ =	shalt  }
0x43: {  	_ =	shalt  }
0x44: {  	_ =	shalt  }
0x45: {  	_ =	shalt  }
0x46: {  	_ =	shalt  }
0x47: {  	_ =	shalt  }
0x48: {  	_ =	shalt  }
0x49: {  	_ =	shalt  }
0x4a: {  	_ =	shalt  }
0x4b: {  	_ =	shalt  }
0x4c: {  	_ =	shalt  }
0x4d: {  	_ =	shalt  }
0x4e: {  	_ =	shalt  }
0x4f: {  	_ =	shalt  }
0x50: {  	_ =	shalt  }
0x51: {  	_ =	shalt  }
0x52: {  	_ =	shalt  }
0x53: {  	_ =	shalt  }
0x54: {  	_ =	shalt  }
0x55: {  	_ =	shalt  }
0x56: {  	_ =	shalt  }
0x57: {  	_ =	shalt  }
0x58: {  	_ =	shalt  }
0x59: {  	_ =	shalt  }
0x5a: {  	_ =	shalt  }
0x5b: {  	_ =	shalt  }
0x5c: {  	_ =	shalt  }
0x5d: {  	_ =	shalt  }
0x5e: {  	_ =	shalt  }
0x5f: {  	_ =	shalt  }
0x60: {  	_ =	shalt  }
0x61: {  	_ =	shalt  }
0x62: {  	_ =	shalt  }
0x63: {  	_ =	shalt  }
0x64: {  	_ =	shalt  }
0x65: {  	_ =	shalt  }
0x66: {  	_ =	shalt  }
0x67: {  	_ =	shalt  }
0x68: {  	_ =	shalt  }
0x69: {  	_ =	shalt  }
0x6a: {  	_ =	shalt  }
0x6b: {  	_ =	shalt  }
0x6c: {  	_ =	shalt  }
0x6d: {  	_ =	shalt  }
0x6e: {  	_ =	shalt  }
0x6f: {  	_ =	shalt  }
0x70: {  	_ =	shalt  }
0x71: {  	_ =	shalt  }
0x72: {  	_ =	shalt  }
0x73: {  	_ =	shalt  }
0x74: {  	_ =	shalt  }
0x75: {  	_ =	shalt  }
0x76: {  	_ =	shalt  }
0x77: {  	_ =	shalt  }
0x78: {  	_ =	shalt  }
0x79: {  	_ =	shalt  }
0x7a: {  	_ =	shalt  }
0x7b: {  	_ =	shalt  }
0x7c: {  	_ =	shalt  }
0x7d: {  	_ =	shalt  }
0x7e: {  	_ =	shalt  }
0x7f: {  	_ =	shalt  }
0x80: {  	_ =	shalt  }
0x81: {  	_ =	shalt  }
0x82: {  	_ =	shalt  }
0x83: {  	_ =	shalt  }
0x84: {  	_ =	shalt  }
0x85: {  	_ =	shalt  }
0x86: {  	_ =	shalt  }
0x87: {  	_ =	shalt  }
.Lfunc_end0:
.L_simem_size_0:
called_computation_lowered:
.L_overlay_start_0:
0x88: {  	s2 =	sld [smem:$0x3FD9]  }
0x89: {  	s3 =	sld [smem:$0x3FFE];
	_ =	sdelay $0x1  }
0x8a: {  	s1 =	srdreg.scid  }
0x8b: {  	s0 =	sand.u32 $0x1, s1  }
0x8c: {  	s17 =	sshll.u32 s0, $0xA;
	s2 =	sadd.s32 s3, s2  }
0x8d: {  	s2 =	sadd.s32 s2, s17  }
0x8e: {  	[smem:$0x3FC2] =	sst s2  }
0x8f: {  	_ = 	snop  }
0x90: {  	s2 =	sld [smem:$0x3FD0];
	(tm) =	ssettm $0x1  }
0x91: {  	s18 =	sld [smem:$0x3FFB];
	_ =	sdelay $0x3  }
0x92: {  	_ =	strace s18  }
0x93: {  	s3 =	sld [smem:$0x3FFC];
	_ =	sdelay $0x3  }
0x94: {  	_ =	strace s3  }
0x95: {  	s3 =	sld [smem:$0x3FFD];
	_ =	sdelay $0x3  }
0x96: {  	_ =	strace s3  }
0x97: {  	_ =	strace $0x8FFFFFFF  }
0x98: {  	s19 =	sld [smem:$0x3FDB];
	_ =	sdelay $0x1  }
0x99: {  	s4 =	simm.s32 $_scs_section_size  }
0x9a: {  	s5 =	simm.s32 $_size__tile_overlayer_lowered;
	s6 =	simm.s32 $_tile_overlayer_lowered  }
0x9b: {  	s22 =	simm.s32 $0x1BFF;
	s21 =	sshll.u32 s6, $0x1;
	s3 =	sadd.s32 s4, s19  }
0x9c: {  	s7 =	simm.s32 $0x0;
	s20 =	sshll.u32 s5, $0x1;
	s5 =	sadd.s32 s21, s3  }
0x9d: {  	[timem:s7], [sflag:s22] =	dma.local [hbm:s5], s20  }
0x9e: {  	_ =	swait.ge [sflag:s22], s20  }
0x9f: {  	s4 =	ssub.s32 $0x0, s20;
	[sflag:s22] =	ssyncset.done $0x0  }
0xa0: {  	[sflag:s22] =	ssyncadd.s32 s4;
	_ =	sdelay $0x1  }
0xa1: {  	s23 =	simm.s32 $0x1B8B  }
0xa2: {  	_ =	swait.ge [sflag:s23], $0x1  }
0xa3: {  	[sflag:s23] =	ssyncset.done $0x0  }
0xa4: {  	s25 =	simm.s32 $0x1B8E;
	s24 =	sld [smem:$0x3FFE];
	[sflag:s23] =	ssyncadd.s32 $0xFFFFFFFF  }
0xa5: {  	s26 =	simm.s32 $execute0_lowered;
	[smem:$0x3FD2] =	sst s25  }
0xa6: {  	s5 =	sshll.u32 s26, $0x1;
	_ =	strace $0x80000046;
	[dreg:$0x1] =	wrdreg $0xFFFFFFFF  }
0xa7: {  	s28 =	simm.s32 $_size_execute0_lowered;
	s3 =	sadd.s32 s3, s5;
	[dreg:$0x0] =	wrdreg $0x0  }
0xa8: {  	s5 =	sshll.u32 s28, $0x1;
	[dreg:$0x2] =	wrdreg s3  }
0xa9: {  	[dreg:$0x3] =	wrdreg s5  }
0xaa: {  	[dreg:$0x4] =	wrdreg $0xC0  }
0xab: {  	_ =	task [dreg:s7], $0x5FFFF  }
0xac: {  	[dreg:$0x1] =	wrdreg $0xFFFFFFFF  }
0xad: {  	[dreg:$0x0] =	wrdreg $0x60  }
0xae: {  	[dreg:$0x2] =	wrdreg s2  }
0xaf: {  	[dreg:$0x3] =	wrdreg s24  }
0xb0: {  	[dreg:$0x4] =	wrdreg $0x0  }
0xb1: {  	[dreg:$0x5] =	wrdreg $0x138800  }
0xb2: {  	[dreg:$0x6] =	wrdreg $0x9  }
0xb3: {  	_ =	task.clear_ibuf [dreg:s7], $0x7FFFF;
	_ =	strace $0x90000046  }
0xb4: {  	s29 =	simm.s32 $0x9;
	_ =	strace $0x80000048  }
0xb5: {  	_ =	swait.ge [sflag:s29], $0x1  }
0xb6: {  	[sflag:s29] =	ssyncadd.s32 $0xFFFFFFFF  }
0xb7: {  	_ =	strace $0x90000048  }
0xb8: {  	_ =	sfence  }
0xb9: {  	s30 =	sld [smem:$0x0];
	_ =	sdelay $0x2  }
0xba: {  	s31 =	sshll.u32 s1, $0xD;
	s1 =	sshrl.u32 s1, $0x2  }
0xbb: {  	s3 =	sand.u32 $0x4000, s31;
	s1 =	sadd.s32 s1, s30  }
0xbc: {  	s0 =	sor.u32 s3, s0;
	s1 =	sshll.u32 s1, $0x11  }
0xbd: {  	s0 =	sor.u32 s1, s0  }
0xbe: {  	s0 =	sadd.s32 $0x8F2B, s0  }
0xbf: {  	[sflag:s0] =	ssyncadd.remote.s32 $0x1  }
0xc0: {  	_ =	sfence.sel $0xFFFF  }
0xc1: {  	[dreg:$0x0] =	wrdreg $0xFFFFFFFF;
	(pc) =	sbr.abs _section_cstart, $3  }
0xc2: {  	[dreg:$0x1] =	wrdreg $0xFFFFFFFF  }
0xc3: {  	_ =	task.clear_ibuf [dreg:s7], $0x2FFFF;
	_ =	strace $0x9FFFFFFF  }
0xc4: {  	(tm) =	ssettm $0x7FFFFFFF  }
0xc5: {  	_ =	shalt  }
tec
execute0_lowered:
.L_overlay_start_1:
0x0: {  	(tag) =	ssettag $0x1  }
0x1: {  	s1 =	rddreg [dreg:$0x0]  }
0x2: {  	s0 =	rddreg [dreg:$0x1]  }
0x3: {  	s2 =	rddreg [dreg:$0x2]  }
0x4: {  	s3 =	rddreg [dreg:$0x3];
	s4 =	srdreg.scid  }
0x5: {  	s5 =	simm.s32 $0x0;
	s29 =	simm.s32 $0x50;
	s28 =	simm.s32 $0x8  }
0x6: {  	s30 =	simm.s32 $0x9;
	s31 =	simm.s32 $0x0;
	s6 =	sand.u32 $0x1, s4  }
0x7: {  	s4 =	stileid.u32;
	[smem:$0x7FF] =	sst s5;
	s9 =	sadd.s32 $0x21800, s0  }
0x8: {  	s19 =	sadd.s32 $0x21200, s0;
	_ =	strace $0x80000047;
	[dreg:$0x5] =	wrdreg s9  }
0x9: {  	s10 =	sadd.s32 $0x21000, s0;
	s7 =	smul.u32 $0x138800, s6;
	[dreg:$0x6] =	wrdreg s19  }
0xa: {  	s21 =	sadd.s32 $0x21E00, s0;
	s8 =	smul.u32 $0x1F400, s4;
	[dreg:$0x7] =	wrdreg s10  }
0xb: {  	s20 =	smul.u32 $0x3E80, s4;
	[dreg:$0x8] =	wrdreg s21;
	s22 =	sshll.u32 s6, $0x4  }
0xc: {  	s6 =	ssub.s32 $0x2, s6;
	s11 =	smul.u32 $0x7D000, s4;
	p0 =	sgt.u32 s4, $0x9  }
0xd: {  	s12 =	sshrl.u32 s6, $0x1;
	s10 =	sor.u32 s4, s22;
	p2 =	sne.s32 @!p0 s4, $0x0  }
0xe: {  	s7 =	sadd.s32 s8, s7;
	s8 =	sadd.s32 $0x1000, s0;
	s9 =	sadd.s32 s20, s0  }
0xf: {  	s6 =	ssub.s32 s6, s12;
	s23 =	sshrl.u32 s11, $0x2;
	s11 =	sshll.u32 s10, $0xE  }
0x10: {  	s10 =	sshll.u32 s10, $0xB;
	p1 =	por p2, p0;
	p2 =	por !p2, p0  }
0x11: {  	s7 =	sshrl.u32 s7, $0x3;
	s12 =	sadd.s32 s23, s2;
	s13 =	sor.u32 $0x80000, s11  }
0x12: {  	s9 =	sadd.s32 $0x22400, s9;
	s15 =	sadd.s32 s8, s10;
	s21 =	smax.u32 s6, $0x1  }
0x13: {  	s23 =	simm.s32 $0xA;
	s7 =	sadd.s32 s7, s0;
	[dreg:$0x9] =	wrdreg s12  }
0x14: {  	s0 =	sadd.s32 s22, s0;
	[dreg:$0xa] =	wrdreg s9;
	s25 =	sadd.s32 $0x10, s15  }
0x15: {  	s24 =	sshrl.u32 s13, $0x3;
	s26 =	sadd.s32 $0x10010, s15;
	[dreg:$0xc] =	wrdreg s25  }
0x16: {  	s22 =	simm.s32 $0x13AF8;
	s9 =	sadd.s32 s8, s24;
	[dreg:$0xd] =	wrdreg s26  }
0x17: {  	s7 =	sadd.s32 $0x4A000, s7;
	s20 =	sadd.s32 $0x49600, s0;
	[dreg:$0xb] =	wrdreg s9  }
0x18: {  	s24 =	simm.s32 $0x16278;
	s25 =	simm.s32 $0x3;
	[dreg:$0xe] =	wrdreg s7  }
.LBB2_1:
0x19: {  	s0 =	rddreg [dreg:$0x5]  }
0x1a: {  	[tilespmem:s22], [sflag:$0xA] =	stream.linear.gather [hbm4b:s0+s5], $0x2780, $0x38;
	[tilespmem:$0x1E078] =	vst v63  }
0x1b: {  	_ =	swait.ge [sflag:s23], $0x2780  }
0x1c: {  	[sflag:s23] =	ssyncset.done $0x0  }
0x1d: {  	s18 =	rddreg [dreg:$0x6];
	[sflag:s23] =	ssyncadd.s32 $0xFFFFD880  }
0x1e: {  	[tilespmem:s24], [sflag:$0xA] =	stream.linear.gather [hbm4b:s18+s5], $0x2780, $0x38;
	[tilespmem:$0x1E078] =	vst v63  }
0x1f: {  	_ =	swait.ge [sflag:s23], $0x2780  }
0x20: {  	[sflag:s23] =	ssyncset.done $0x0  }
0x21: {  	s6 =	simm.s32 $0x189F8;
	s19 =	rddreg [dreg:$0x7];
	[sflag:s23] =	ssyncadd.s32 $0xFFFFD880  }
0x22: {  	[tilespmem:s6], [sflag:$0xA] =	stream.linear.gather [hbm4b:s19+s5], $0x80, $0x38;
	[tilespmem:$0x1E078] =	vst v63  }
0x23: {  	s0 =	sshll.u32 @!p0 s4, $0x6;
	_ =	swait.ge [sflag:s23], $0x80  }
0x24: {  	s0 =	sor.u32 @!p0 $0x1C0A, s0;
	[sflag:s23] =	ssyncset.done $0x0;
	s6 =	rddreg [dreg:$0x9]  }
0x25: {  	s7 =	rddreg [dreg:$0xa];
	[sflag:s23] =	ssyncadd.s32 $0xFFFFFF80;
	s6 =	sshrl.u32 @!p0 s6, $0x3  }
0x26: {  	[spmem:s6], [sflag:s0] =	dma.local @!p0 [hbm:s7], $0x3E80  }
0x27: {  	s7 =	simm.s32 @!p0 $0xA  }
0x28: {  	_ =	swait.ge @!p0 [sflag:s7], $0x3E80  }
0x29: {  	s9 =	simm.s32 @!p1 $0x1C0A;
	[sflag:s7] =	ssyncset.done @!p0 $0x0  }
0x2a: {  	s10 =	rddreg [dreg:$0x8];
	[sflag:s7] =	ssyncadd.s32 @!p0 $0xFFFFC180;
	s7 =	sshrl.u32 @!p1 s3, $0x3  }
0x2b: {  	[spmem:s7], [sflag:s9] =	dma.local @!p1 [hbm:s10], $0x4F0  }
0x2c: {  	s7 =	simm.s32 @!p1 $0xA  }
0x2d: {  	_ =	swait.ge @!p1 [sflag:s7], $0x4F0  }
0x2e: {  	[sflag:s7] =	ssyncset.done @!p1 $0x0  }
0x2f: {  	[sflag:s7] =	ssyncadd.s32 @!p1 $0xFFFFFB10  }
0x30: {  	s26 =	simm.s32 $0x18A78;
	[bflag:$0x0] =	sbarrier.arrive $0xFFFF  }
0x31: {  	v0 =	vld [tilespmem:$0x189F8];
	[tilespmem:s26], [sflag:$0xA] =	stream.linear.gather [hbm4b:s15+s5], $0x80, $0x38  }
0x32: {  	_ =	swait.ge [sflag:s23], $0x80  }
0x33: {  	[sflag:s23] =	ssyncset.done $0x0  }
0x34: {  	s14 =	simm.s32 $0x18C78;
	s12 =	rddreg [dreg:$0xb];
	[sflag:s23] =	ssyncadd.s32 $0xFFFFFF80  }
0x35: {  	[tilespmem:s14], [sflag:$0xA] =	stream.linear.gather [hbm4b:s12+s5], $0x80, $0x38;
	[tilespmem:$0x1E078] =	vst v63  }
0x36: {  	p3 =	por @!p0 $0x0, $0x0;
	p4 =	por @!p1 $0x1, $0x1;
	_ =	swait.ge [sflag:s23], $0x80  }
0x37: {  	p4 =	por @!p2 p3, p3;
	p3 =	por $0x0, $0x0;
	[sflag:s23] =	ssyncset.done $0x0  }
0x38: {  	s16 =	simm.s32 $0x19078;
	p3 =	por @!p0 p4, p4;
	[sflag:s23] =	ssyncadd.s32 $0xFFFFFF80  }
0x39: {  	[tilespmem:s16], [sflag:$0x1] =	stream.indirect.gather [hbm4b:s1+s29], $0x80, s26, s29, $0xb8;
	[tilespmem:$0x1E078] =	vst v63  }
0x3a: {  	p4 =	por $0x0, $0x0;
	s18 =	simm.s32 $0x18AF8;
	s17 =	rddreg [dreg:$0xc]  }
0x3b: {  	[tilespmem:s18], [sflag:$0x6] =	stream.linear.gather [hbm4b:s17+s5], $0x80, $0x38;
	[tilespmem:$0x1E078] =	vst v63  }
0x3c: {  	s12 =	simm.s32 $0x0;
	s19 =	rddreg [dreg:$0xd];
	s26 =	simm.s32 $0x18CF8  }
0x3d: {  	[tilespmem:s26], [sflag:$0x6] =	stream.linear.gather [hbm4b:s19+s5], $0x80, $0x38;
	[tilespmem:$0x1E078] =	vst v63  }
.LBB2_2:
0x3e: {  	s14 =	smul.u32 $0xAB, s12;
	_ =	sdelay $0x1  }
0x3f: {  	s7 =	sadd.s32 $0xAB, s14  }
0x40: {  	s9 =	sshrl.u32 s7, $0x9  }
0x41: {  	s7 =	sadd.s32 $0x1, s12;
	s9 =	sand.u32 $0x7F, s9  }
0x42: {  	p6 =	seq.s32 s12, $0x0;
	s10 =	sand.u32 $0x1, s7;
	s9 =	smul.u32 $0x3, s9  }
0x43: {  	s16 =	sadd.s32 @!p6 $0x3, s10  }
0x44: {  	p5 =	seq.s32 @!p6 s12, $0x7C;
	_ =	swait.ge @!p6 [sflag:s16], $0x2800;
	s9 =	ssub.s32 s7, s9  }
0x45: {  	p5 =	por p6, !p5;
	[sflag:s16] =	ssyncset.done @!p6 $0x0;
	s9 =	sand.u32 $0xFF, s9  }
0x46: {  	[sflag:s16] =	ssyncadd.s32 @!p6 $0xFFFFD800;
	s16 =	sadd.s32 @p5 $0x5, s9  }
0x47: {  	_ =	swait.ge @p5 [sflag:s16], $0x80  }
0x48: {  	[sflag:s16] =	ssyncset.done @p5 $0x0  }
0x49: {  	s26 =	sadd.s32 $0x156, s14;
	[sflag:s16] =	ssyncadd.s32 @p5 $0xFFFFFF80  }
0x4a: {  	s26 =	sshrl.u32 s26, $0x9;
	s17 =	smul.u32 @p5 $0xA000, s10;
	_ =	swait.ge @p5 [sflag:s16], $0x80  }
0x4b: {  	s10 =	sadd.s32 @p5 $0x1, s10;
	p6 =	sgt.u32 @p5 s12, $0x7A;
	[sflag:s16] =	ssyncset.done @p5 $0x0  }
0x4c: {  	s9 =	sshll.u32 @p5 s9, $0x7;
	[sflag:s16] =	ssyncadd.s32 @p5 $0xFFFFFF80;
	s16 =	sshrl.u32 @p5 s17, $0x2  }
0x4d: {  	s9 =	sadd.s32 @p5 $0x18A78, s9;
	s17 =	simm.s32 @p5 $0x50;
	s16 =	sadd.s32 @p5 $0x19078, s16  }
0x4e: {  	[tilespmem:s16], [sflag:s10] =	stream.indirect.gather @p5 [hbm4b:s1+s17], $0x80, s9, s17, $0xb8;
	[tilespmem:$0x1E078] =	vst v63  }
0x4f: {  	s10 =	sadd.s32 $0x2, s12;
	s9 =	sand.u32 $0x7F, s26;
	p5 =	por !p5, p6  }
0x50: {  	s9 =	smul.u32 $0x3, s9;
	s16 =	sshll.u32 @!p5 s10, $0x7  }
0x51: {  	s17 =	sand.u32 @!p5 $0x7C00, s16  }
0x52: {  	s16 =	sand.u32 @!p5 $0x380, s16;
	s9 =	ssub.s32 s10, s9;
	s10 =	sadd.s32 @!p5 s11, s17  }
0x53: {  	s9 =	sand.u32 $0xFF, s9;
	s10 =	sor.u32 @!p5 s16, s10  }
0x54: {  	s26 =	sadd.s32 @!p5 $0x5, s9;
	s9 =	sshll.u32 @!p5 s9, $0x7;
	s10 =	sshrl.u32 @!p5 s10, $0x3  }
0x55: {  	s19 =	simm.s32 @!p5 $0x0;
	s18 =	sadd.s32 @!p5 $0x18A78, s9;
	s10 =	sadd.s32 @!p5 s8, s10  }
0x56: {  	[tilespmem:s18], [sflag:s26] =	stream.linear.gather @!p5 [hbm4b:s10+s19], $0x80, $0x38;
	[tilespmem:$0x1E078] =	vst v63  }
0x57: {  	s10 =	sadd.s32 @!p5 s13, s17  }
0x58: {  	s10 =	sor.u32 @!p5 s16, s10  }
0x59: {  	s14 =	sshrl.u32 s14, $0x9;
	s10 =	sshrl.u32 @!p5 s10, $0x3  }
0x5a: {  	s14 =	sand.u32 $0x7F, s14;
	s9 =	sadd.s32 @!p5 $0x18C78, s9;
	s10 =	sadd.s32 @!p5 s8, s10  }
0x5b: {  	[tilespmem:s9], [sflag:s26] =	stream.linear.gather @!p5 [hbm4b:s10+s19], $0x80, $0x38;
	[tilespmem:$0x1E078] =	vst v63  }
0x5c: {  	s14 =	smul.u32 $0x3, s14;
	p6 =	slt.u32 @!p5 s12, $0x2;
	s9 =	sand.u32 $0x1, s12  }
0x5d: {  	p5 =	por p5, !p6;
	s10 =	sor.u32 $0x8, s9  }
0x5e: {  	s16 =	ssub.s32 s12, s14;
	_ =	swait.ge @p5 [sflag:s10], $0x50  }
0x5f: {  	s12 =	sand.u32 $0xFF, s16;
	[sflag:s10] =	ssyncset.done @p5 $0x0  }
0x60: {  	s14 =	sshll.u32 s12, $0x7;
	[sflag:s10] =	ssyncadd.s32 @p5 $0xFFFFFFB0  }
0x61: {  	v1 =	vld [tilespmem:s14+$0x18A78]  }
0x62: {  	v2 =	vld [tilespmem:s14+$0x18C78];
	_ =	sdelay $0x6  }
0x63: {  	v1 =	vld.idx.msk [tilespmem:v1+s22+$0x0], $0xffff  }
0x64: {  	v3 =	vld.idx.msk [tilespmem:v2+s24+$0x0], $0xffff;
	_ =	sdelay $0x4  }
0x65: {  	v1 =	vadd.f32 v3, v1;
	_ =	sdelay $0x1  }
0x66: {  	v3 =	vmul.f32 $2.000000030e-01, v1;
	_ =	sdelay $0x1  }
0x67: {  	v1 =	vmax.f32 v1, v3  }
0x68: {  	v1 =	vsub.f32 v1, v0;
	_ =	sdelay $0x1  }
0x69: {  	v1 =	vmul.f32 $1.442695020e+00, v1;
	_ =	sdelay $0x1  }
0x6a: {  	(erf) = vpow2.f32 v1;
	_ =	sdelay $0x7  }
0x6b: {  	s17 =	sshll.u32 s9, $0x7  }
0x6c: {  	[tilespmem:s17+$0x18E78] =	vst v2;
	v1 =	vpop (erf)  }
0x6d: {  	[tilespmem:s17+$0x18F78] =	vst v1  }
0x6e: {  	v1 =	vld [tilespmem:s14+$0x18A88]  }
0x6f: {  	v2 =	vld [tilespmem:s14+$0x18C88];
	_ =	sdelay $0x6  }
0x70: {  	v1 =	vld.idx.msk [tilespmem:v1+s22+$0x0], $0xffff  }
0x71: {  	v3 =	vld.idx.msk [tilespmem:v2+s24+$0x0], $0xffff;
	_ =	sdelay $0x4  }
0x72: {  	v1 =	vadd.f32 v3, v1;
	_ =	sdelay $0x1  }
0x73: {  	v3 =	vmul.f32 $2.000000030e-01, v1;
	_ =	sdelay $0x1  }
0x74: {  	v1 =	vmax.f32 v1, v3  }
0x75: {  	v1 =	vsub.f32 v1, v0;
	_ =	sdelay $0x1  }
0x76: {  	v1 =	vmul.f32 $1.442695020e+00, v1;
	_ =	sdelay $0x1  }
0x77: {  	(erf) = vpow2.f32 v1;
	_ =	sdelay $0x8  }
0x78: {  	[tilespmem:s17+$0x18E88] =	vst v2;
	v1 =	vpop (erf)  }
0x79: {  	[tilespmem:s17+$0x18F88] =	vst v1  }
0x7a: {  	v1 =	vld [tilespmem:s14+$0x18A98]  }
0x7b: {  	v2 =	vld [tilespmem:s14+$0x18C98];
	_ =	sdelay $0x6  }
0x7c: {  	v1 =	vld.idx.msk [tilespmem:v1+s22+$0x0], $0xffff  }
0x7d: {  	v3 =	vld.idx.msk [tilespmem:v2+s24+$0x0], $0xffff;
	_ =	sdelay $0x4  }
0x7e: {  	v1 =	vadd.f32 v3, v1;
	_ =	sdelay $0x1  }
0x7f: {  	v3 =	vmul.f32 $2.000000030e-01, v1;
	_ =	sdelay $0x1  }
0x80: {  	v1 =	vmax.f32 v1, v3  }
0x81: {  	v1 =	vsub.f32 v1, v0;
	_ =	sdelay $0x1  }
0x82: {  	v1 =	vmul.f32 $1.442695020e+00, v1;
	_ =	sdelay $0x1  }
0x83: {  	(erf) = vpow2.f32 v1;
	_ =	sdelay $0x8  }
0x84: {  	[tilespmem:s17+$0x18E98] =	vst v2;
	v1 =	vpop (erf)  }
0x85: {  	[tilespmem:s17+$0x18F98] =	vst v1  }
0x86: {  	v1 =	vld [tilespmem:s14+$0x18AA8]  }
0x87: {  	v2 =	vld [tilespmem:s14+$0x18CA8];
	_ =	sdelay $0x6  }
0x88: {  	v1 =	vld.idx.msk [tilespmem:v1+s22+$0x0], $0xffff  }
0x89: {  	v3 =	vld.idx.msk [tilespmem:v2+s24+$0x0], $0xffff;
	_ =	sdelay $0x4  }
0x8a: {  	v1 =	vadd.f32 v3, v1;
	_ =	sdelay $0x1  }
0x8b: {  	v3 =	vmul.f32 $2.000000030e-01, v1;
	_ =	sdelay $0x1  }
0x8c: {  	v1 =	vmax.f32 v1, v3  }
0x8d: {  	v1 =	vsub.f32 v1, v0;
	_ =	sdelay $0x1  }
0x8e: {  	v1 =	vmul.f32 $1.442695020e+00, v1;
	_ =	sdelay $0x1  }
0x8f: {  	(erf) = vpow2.f32 v1;
	_ =	sdelay $0x8  }
0x90: {  	[tilespmem:s17+$0x18EA8] =	vst v2;
	v1 =	vpop (erf)  }
0x91: {  	[tilespmem:s17+$0x18FA8] =	vst v1  }
0x92: {  	v1 =	vld [tilespmem:s14+$0x18AB8]  }
0x93: {  	v2 =	vld [tilespmem:s14+$0x18CB8];
	_ =	sdelay $0x6  }
0x94: {  	v1 =	vld.idx.msk [tilespmem:v1+s22+$0x0], $0xffff  }
0x95: {  	v3 =	vld.idx.msk [tilespmem:v2+s24+$0x0], $0xffff;
	_ =	sdelay $0x4  }
0x96: {  	v1 =	vadd.f32 v3, v1;
	_ =	sdelay $0x1  }
0x97: {  	v3 =	vmul.f32 $2.000000030e-01, v1;
	_ =	sdelay $0x1  }
0x98: {  	v1 =	vmax.f32 v1, v3  }
0x99: {  	v1 =	vsub.f32 v1, v0;
	_ =	sdelay $0x1  }
0x9a: {  	v1 =	vmul.f32 $1.442695020e+00, v1;
	_ =	sdelay $0x1  }
0x9b: {  	(erf) = vpow2.f32 v1;
	_ =	sdelay $0x7  }
0x9c: {  	s18 =	simm.s32 $0x0  }
0x9d: {  	[tilespmem:s17+$0x18EB8] =	vst v2;
	v3 =	vmov s18;
	v1 =	vpop (erf)  }
0x9e: {  	s12 =	sor.u32 $0x18F78, s17;
	s26 =	sor.u32 $0x18E78, s17;
	[tilespmem:s17+$0x18FB8] =	vst v1;
	v1 =	vand.u32 $0xFFFFFFF8, v3  }
0x9f: {  	v1 =	vbroadcast v1, $0x0;
	[spmem:s3] =	stream.indirect.scatter.add.f32 [tilespmem:s12], [sflag:s10], $0x1, s26, s29, $0xb8;
	[tilespmem:$0x1E078] =	vst v63  }
0xa0: {  	s10 =	simm.s32 $0x1  }
0xa1: {  	s18 =	sadd.s32 $0x1, s9;
	s10 =	simm.s32 @!p4 $0x0  }
0xa2: {  	_ =	swait.ge [sflag:s18], $0x2800;
	s10 =	smul.u32 $0xA000, s10  }
0xa3: {  	[sflag:s18] =	ssyncset.done $0x0  }
0xa4: {  	[sflag:s18] =	ssyncadd.s32 $0xFFFFD800;
	s10 =	sshrl.u32 s10, $0x2  }
0xa5: {  	s10 =	sadd.s32 $0x19278, s10;
	v1 =	vld.idx.msk [tilespmem:v1+s12+$0x0], $0xffff  }
0xa6: {  	s19 =	simm.s32 $0x6;
	v4 =	vld [tilespmem:s10+$0x170]  }
0xa7: {  	v3 =	vmov s19;
	s19 =	simm.s32 $0x1;
	v5 =	vld [tilespmem:s10+$0xFFFFFE00]  }
0xa8: {  	v2 =	vand.u32 $0xFFFFFFFE, v3;
	v3 =	vmov s19;
	v6 =	vld [tilespmem:s10+$0xFFFFFE10]  }
0xa9: {  	v2 =	vbroadcast v2, $0x0;
	v3 =	vand.u32 $0xFFFFFFF9, v3;
	v7 =	vld [tilespmem:s10+$0xFFFFFE20]  }
0xaa: {  	v3 =	vbroadcast v3, $0x0;
	v8 =	vld [tilespmem:s10+$0xFFFFFE30]  }
0xab: {  	v9 =	vld [tilespmem:s10+$0xFFFFFE40]  }
0xac: {  	v10 =	vld [tilespmem:s10+$0xFFFFFE50]  }
0xad: {  	v11 =	vld [tilespmem:s10+$0xFFFFFE60]  }
0xae: {  	v13 =	vld [tilespmem:s10+$0xFFFFFE80]  }
0xaf: {  	v2 =	vld.idx.msk [tilespmem:v2+s12+$0x0], $0xffff  }
0xb0: {  	v3 =	vld.idx.msk [tilespmem:v3+s12+$0x0], $0xffff  }
0xb1: {  	v12 =	vld [tilespmem:s10+$0xFFFFFE70];
	v5 =	vmul.f32 v5, v1  }
0xb2: {  	v14 =	vld [tilespmem:s10+$0xFFFFFE90];
	v6 =	vmul.f32 v6, v1  }
0xb3: {  	v15 =	vld [tilespmem:s10+$0xFFFFFEA0];
	v8 =	vmul.f32 v8, v1;
	[tilespmem:s10+$0xFFFFFE00] =	vst v5  }
0xb4: {  	v16 =	vld [tilespmem:s10+$0xFFFFFEB0];
	v9 =	vmul.f32 v9, v1;
	[tilespmem:s10+$0xFFFFFE10] =	vst v6  }
0xb5: {  	s26 =	simm.s32 $0x2;
	v4 =	vmul.f32 v4, v2;
	v6 =	vmul.f32 v13, v3;
	v13 =	vld [tilespmem:s10+$0xFFFFFED0];
	[tilespmem:s10+$0xFFFFFE30] =	vst v8  }
0xb6: {  	v5 =	vmov s26;
	v8 =	vmul.f32 v10, v1;
	v10 =	vld [tilespmem:s10+$0xFFFFFEF0];
	[tilespmem:s10+$0xFFFFFE40] =	vst v9  }
0xb7: {  	v9 =	vmul.f32 v11, v1;
	v11 =	vld [tilespmem:s10+$0xFFFFFF00];
	v5 =	vand.u32 $0xFFFFFFFA, v5;
	[tilespmem:s10+$0x170] =	vst v4  }
0xb8: {  	v4 =	vmul.f32 v7, v1;
	v7 =	vld [tilespmem:s10+$0xFFFFFEC0];
	v5 =	vbroadcast v5, $0x0;
	[tilespmem:s10+$0xFFFFFE80] =	vst v6  }
0xb9: {  	v1 =	vmul.f32 v12, v1;
	v12 =	vld [tilespmem:s10+$0xFFFFFF20];
	[tilespmem:s10+$0xFFFFFE50] =	vst v8  }
0xba: {  	s17 =	simm.s32 $0x3;
	v8 =	vld [tilespmem:s10+$0xFFFFFF10];
	[tilespmem:s10+$0xFFFFFE60] =	vst v9  }
0xbb: {  	v6 =	vmov s17;
	v9 =	vmul.f32 v14, v3;
	v14 =	vld [tilespmem:s10+$0xFFFFFF30];
	[tilespmem:s10+$0xFFFFFE20] =	vst v4  }
0xbc: {  	v4 =	vld [tilespmem:s10+$0xFFFFFEE0];
	v6 =	vand.u32 $0xFFFFFFFB, v6;
	[tilespmem:s10+$0xFFFFFE70] =	vst v1;
	v1 =	vmul.f32 v15, v3  }
0xbd: {  	v15 =	vld [tilespmem:s10+$0xFFFFFF40];
	v6 =	vbroadcast v6, $0x0;
	[tilespmem:s10+$0xFFFFFE90] =	vst v9;
	v9 =	vmul.f32 v16, v3  }
0xbe: {  	v13 =	vmul.f32 v13, v3;
	v5 =	vld.idx.msk [tilespmem:v5+s12+$0x0], $0xffff  }
0xbf: {  	v7 =	vmul.f32 v7, v3;
	[tilespmem:s10+$0xFFFFFEB0] =	vst v9;
	v9 =	vld [tilespmem:s10+$0xFFFFFF60]  }
0xc0: {  	[tilespmem:s10+$0xFFFFFED0] =	vst v13;
	v13 =	vld [tilespmem:s10+$0xFFFFFFB0]  }
0xc1: {  	[tilespmem:s10+$0xFFFFFEC0] =	vst v7;
	v4 =	vmul.f32 v4, v3;
	v7 =	vld [tilespmem:s10+$0xFFFFFF70]  }
0xc2: {  	[tilespmem:s10+$0xFFFFFEA0] =	vst v1;
	v3 =	vmul.f32 v10, v3;
	v10 =	vld [tilespmem:s10+$0xFFFFFF80]  }
0xc3: {  	v6 =	vld.idx.msk [tilespmem:v6+s12+$0x0], $0xffff;
	[tilespmem:s10+$0xFFFFFEE0] =	vst v4;
	v1 =	vmul.f32 v11, v5  }
0xc4: {  	[tilespmem:s10+$0xFFFFFEF0] =	vst v3;
	v11 =	vld [tilespmem:s10+$0xFFFFFF50];
	v4 =	vmul.f32 v8, v5  }
0xc5: {  	s18 =	simm.s32 $0x4;
	v8 =	vld [tilespmem:s10+$0xFFFFFF90];
	v3 =	vmul.f32 v12, v5;
	[tilespmem:s10+$0xFFFFFF00] =	vst v1  }
0xc6: {  	v12 =	vld [tilespmem:s10+$0xFFFFFFA0];
	v9 =	vmul.f32 v9, v5;
	v1 =	vmov s18;
	[tilespmem:s10+$0xFFFFFF10] =	vst v4  }
0xc7: {  	v4 =	vmul.f32 v14, v5;
	[tilespmem:s10+$0xFFFFFF20] =	vst v3;
	v14 =	vld [tilespmem:s10+$0xFFFFFFC0];
	v1 =	vand.u32 $0xFFFFFFFC, v1  }
0xc8: {  	v3 =	vmul.f32 v15, v5;
	[tilespmem:s10+$0xFFFFFF60] =	vst v9;
	v9 =	vld [tilespmem:s10+$0x0];
	v1 =	vbroadcast v1, $0x0  }
0xc9: {  	[tilespmem:s10+$0xFFFFFF30] =	vst v4;
	v4 =	vmul.f32 v10, v6;
	v10 =	vld [tilespmem:s10+$0xFFFFFFD0]  }
0xca: {  	s19 =	simm.s32 $0x5;
	[tilespmem:s10+$0xFFFFFF40] =	vst v3;
	v3 =	vld [tilespmem:s10+$0xFFFFFFE0];
	v11 =	vmul.f32 v11, v5  }
0xcb: {  	v5 =	vmul.f32 v7, v5;
	v7 =	vld [tilespmem:s10+$0xFFFFFFF0];
	[tilespmem:s10+$0xFFFFFF80] =	vst v4;
	v4 =	vmov s19  }
0xcc: {  	v8 =	vmul.f32 v8, v6;
	[tilespmem:s10+$0xFFFFFF50] =	vst v11;
	v4 =	vand.u32 $0xFFFFFFFD, v4;
	v11 =	vld [tilespmem:s10+$0x10]  }
0xcd: {  	[tilespmem:s10+$0xFFFFFF70] =	vst v5;
	v5 =	vmul.f32 v12, v6;
	v12 =	vld [tilespmem:s10+$0x20];
	v4 =	vbroadcast v4, $0x0  }
0xce: {  	[tilespmem:s10+$0xFFFFFF90] =	vst v8;
	v8 =	vmul.f32 v13, v6;
	v1 =	vld.idx.msk [tilespmem:v1+s12+$0x0], $0xffff  }
0xcf: {  	v13 =	vld [tilespmem:s10+$0x30];
	[tilespmem:s10+$0xFFFFFFA0] =	vst v5;
	v5 =	vmul.f32 v14, v6  }
0xd0: {  	[tilespmem:s10+$0xFFFFFFB0] =	vst v8;
	v8 =	vmul.f32 v10, v6;
	v10 =	vld [tilespmem:s10+$0x40]  }
0xd1: {  	v3 =	vmul.f32 v3, v6;
	v14 =	vld [tilespmem:s10+$0x180];
	[tilespmem:s10+$0xFFFFFFC0] =	vst v5  }
0xd2: {  	v6 =	vmul.f32 v7, v6;
	[tilespmem:s10+$0xFFFFFFD0] =	vst v8;
	v8 =	vld [tilespmem:s10+$0x60]  }
0xd3: {  	[tilespmem:s10+$0xFFFFFFE0] =	vst v3;
	v4 =	vld.idx.msk [tilespmem:v4+s12+$0x0], $0xffff;
	v5 =	vmul.f32 v9, v1  }
0xd4: {  	[tilespmem:s10+$0xFFFFFFF0] =	vst v6;
	v9 =	vld [tilespmem:s10+$0x50];
	v6 =	vmul.f32 v12, v1  }
0xd5: {  	v3 =	vmul.f32 v11, v1;
	v11 =	vld [tilespmem:s10+$0x90];
	[tilespmem:s10+$0x0] =	vst v5  }
0xd6: {  	v7 =	vld [tilespmem:s10+$0x80];
	[tilespmem:s10+$0x20] =	vst v6;
	v6 =	vmul.f32 v10, v1  }
0xd7: {  	v5 =	vld [tilespmem:s10+$0x70];
	[tilespmem:s10+$0x10] =	vst v3;
	v3 =	vmul.f32 v13, v1  }
0xd8: {  	v10 =	vld [tilespmem:s10+$0xA0];
	[tilespmem:s10+$0x40] =	vst v6;
	v6 =	vmul.f32 v8, v1  }
0xd9: {  	[tilespmem:s10+$0x30] =	vst v3;
	v8 =	vld [tilespmem:s10+$0xC0];
	v3 =	vmul.f32 v9, v1  }
0xda: {  	v9 =	vld [tilespmem:s10+$0xB0];
	v11 =	vmul.f32 v11, v4;
	[tilespmem:s10+$0x60] =	vst v6  }
0xdb: {  	s26 =	simm.s32 $0x7;
	v6 =	vld [tilespmem:s10+$0xE0];
	[tilespmem:s10+$0x50] =	vst v3;
	v3 =	vmul.f32 v7, v4  }
0xdc: {  	v12 =	vmov s26;
	v7 =	vld [tilespmem:s10+$0xD0];
	v5 =	vmul.f32 v5, v1;
	[tilespmem:s10+$0x90] =	vst v11  }
0xdd: {  	v11 =	vld [tilespmem:s10+$0x150];
	[tilespmem:s10+$0x80] =	vst v3  }
0xde: {  	[tilespmem:s10+$0x70] =	vst v5;
	v3 =	vmul.f32 v10, v4;
	v5 =	vld [tilespmem:s10+$0xF0]  }
0xdf: {  	v10 =	vld [tilespmem:s10+$0x100];
	v9 =	vmul.f32 v9, v4  }
0xe0: {  	[tilespmem:s10+$0xA0] =	vst v3;
	v3 =	vmul.f32 v8, v4;
	v8 =	vld [tilespmem:s10+$0x110]  }
0xe1: {  	v1 =	vld.idx.msk [tilespmem:v12+s12+$0x0], $0xffff;
	[tilespmem:s10+$0xB0] =	vst v9;
	v7 =	vmul.f32 v7, v4  }
0xe2: {  	v9 =	vld [tilespmem:s10+$0x120];
	v11 =	vmul.f32 v11, v2;
	[tilespmem:s10+$0xC0] =	vst v3  }
0xe3: {  	s26 =	simm.s32 $0xA;
	v3 =	vmul.f32 v6, v4;
	v6 =	vld [tilespmem:s10+$0x130];
	[tilespmem:s10+$0xD0] =	vst v7;
	v4 =	vmul.f32 v5, v4  }
0xe4: {  	s19 =	simm.s32 $0x9;
	v13 =	vmov s26;
	v5 =	vld [tilespmem:s10+$0x140];
	[tilespmem:s10+$0x150] =	vst v11  }
0xe5: {  	s17 =	simm.s32 $0x8;
	v12 =	vmov s19;
	s19 =	simm.s32 $0xD;
	v10 =	vmul.f32 v10, v2;
	[tilespmem:s10+$0xF0] =	vst v4;
	v4 =	vmul.f32 v8, v2;
	v8 =	vld [tilespmem:s10+$0x160]  }
0xe6: {  	s18 =	simm.s32 $0xF;
	v18 =	vmov s19;
	v14 =	vmul.f32 v14, v1;
	v7 =	vmov s17;
	[tilespmem:s10+$0xE0] =	vst v3  }
0xe7: {  	v17 =	vld [tilespmem:s10+$0x190];
	s17 =	simm.s32 $0xB;
	v7 =	vand.u32 $0xFFFFFFF8, v7;
	v3 =	vmov s18;
	[tilespmem:s10+$0x100] =	vst v10;
	v9 =	vmul.f32 v9, v2  }
0xe8: {  	v10 =	vmov s17;
	[tilespmem:s10+$0x110] =	vst v4;
	v16 =	vmul.f32 v6, v2;
	v4 =	vbroadcast v7, $0x0;
	v6 =	vld [tilespmem:s10+$0x1A0]  }
0xe9: {  	s26 =	smul.u32 $0xA000, s9;
	v7 =	vld [tilespmem:s10+$0x1B0];
	[tilespmem:s10+$0x120] =	vst v9;
	v9 =	vmul.f32 v5, v2;
	v5 =	vand.u32 $0xFFFFFFF9, v12;
	v12 =	vand.u32 $0xFFFFFFFA, v13  }
0xea: {  	s18 =	simm.s32 $0xC;
	v13 =	vand.u32 $0xFFFFFFFB, v10;
	[tilespmem:s10+$0x130] =	vst v16;
	v5 =	vbroadcast v5, $0x0;
	v16 =	vmul.f32 v8, v2;
	v8 =	vld [tilespmem:s10+$0x1C0]  }
0xeb: {  	s14 =	sadd.s32 $0x18C78, s14;
	s16 =	sshrl.u32 s26, $0x2;
	v15 =	vmov s18;
	v10 =	vbroadcast v12, $0x0;
	v12 =	vbroadcast v13, $0x0;
	[tilespmem:s10+$0x140] =	vst v9;
	v9 =	vld [tilespmem:s10+$0x1D0]  }
0xec: {  	s26 =	sadd.s32 $0x19078, s16;
	s16 =	simm.s32 $0x10;
	v11 =	vld [tilespmem:s10+$0x1E0];
	s17 =	simm.s32 $0xE;
	v13 =	vmul.f32 v17, v1;
	v2 =	vand.u32 $0xFFFFFFFC, v15;
	v15 =	vand.u32 $0xFFFFFFFD, v18;
	[tilespmem:s10+$0x160] =	vst v16  }
.LBB2_3:
0xed: {  	p5 =	slt.u32 s16, $0x48;
	v2 =	vbroadcast v2, $0x0;
	v16 =	vmov s17;
	[tilespmem:s10+$0x180] =	vst v14;
	v6 =	vmul.f32 v6, v1;
	v14 =	vld [tilespmem:s10+$0x1F0]  }
0xee: {  	v15 =	vbroadcast v15, $0x0;
	v16 =	vand.u32 $0xFFFFFFFE, v16;
	v17 =	vld.idx.msk [tilespmem:v3+s12+$0x0], $0xffff;
	[tilespmem:s10+$0x190] =	vst v13;
	v3 =	vmul.f32 v7, v1  }
0xef: {  	v7 =	vld.idx.msk [tilespmem:v4+s12+$0x0], $0xffff;
	v13 =	vbroadcast v16, $0x0;
	[tilespmem:s10+$0x1A0] =	vst v6;
	v4 =	vmul.f32 v8, v1  }
0xf0: {  	v6 =	vld.idx.msk [tilespmem:v5+s12+$0x0], $0xffff;
	[tilespmem:s10+$0x1B0] =	vst v3;
	v3 =	vmul.f32 v9, v1  }
0xf1: {  	v8 =	vld.idx.msk [tilespmem:v10+s12+$0x0], $0xffff;
	[tilespmem:s10+$0x1C0] =	vst v4;
	v9 =	vmul.f32 v11, v1  }
0xf2: {  	v5 =	vld.idx.msk [tilespmem:v12+s12+$0x0], $0xffff;
	[tilespmem:s10+$0x1D0] =	vst v3;
	v10 =	vmul.f32 v14, v1  }
0xf3: {  	v4 =	vld.idx.msk [tilespmem:v2+s12+$0x0], $0xffff;
	[tilespmem:s10+$0x1E0] =	vst v9  }
0xf4: {  	v1 =	vmov v17;
	v3 =	vld.idx.msk [tilespmem:v15+s12+$0x0], $0xffff;
	[tilespmem:s10+$0x1F0] =	vst v10  }
0xf5: {  	s10 =	sadd.s32 $0x400, s10;
	v2 =	vld.idx.msk [tilespmem:v13+s12+$0x0], $0xffff  }
0xf6: {  	v9 =	vld [tilespmem:s10+$0x170]  }
0xf7: {  	v10 =	vld [tilespmem:s10+$0xFFFFFE00]  }
0xf8: {  	v11 =	vld [tilespmem:s10+$0xFFFFFE10]  }
0xf9: {  	v12 =	vld [tilespmem:s10+$0xFFFFFE20]  }
0xfa: {  	v13 =	vld [tilespmem:s10+$0xFFFFFE30]  }
0xfb: {  	v14 =	vld [tilespmem:s10+$0xFFFFFE40];
	v9 =	vmul.f32 v9, v2  }
0xfc: {  	v10 =	vmul.f32 v10, v7;
	v15 =	vld [tilespmem:s10+$0xFFFFFE50]  }
0xfd: {  	v11 =	vmul.f32 v11, v7;
	v16 =	vld [tilespmem:s10+$0xFFFFFE60];
	[tilespmem:s10+$0x170] =	vst v9  }
0xfe: {  	[tilespmem:s10+$0xFFFFFE00] =	vst v10;
	v9 =	vmul.f32 v12, v7;
	v10 =	vld [tilespmem:s10+$0xFFFFFE70]  }
0xff: {  	[tilespmem:s10+$0xFFFFFE10] =	vst v11;
	v11 =	vmul.f32 v13, v7;
	v12 =	vld [tilespmem:s10+$0xFFFFFE80]  }
0x100: {  	[tilespmem:s10+$0xFFFFFE20] =	vst v9;
	v9 =	vmul.f32 v14, v7;
	v13 =	vld [tilespmem:s10+$0xFFFFFE90]  }
0x101: {  	[tilespmem:s10+$0xFFFFFE30] =	vst v11;
	v11 =	vmul.f32 v15, v7;
	v14 =	vld [tilespmem:s10+$0xFFFFFEA0]  }
0x102: {  	[tilespmem:s10+$0xFFFFFE40] =	vst v9;
	v9 =	vmul.f32 v16, v7;
	v15 =	vld [tilespmem:s10+$0xFFFFFEB0]  }
0x103: {  	[tilespmem:s10+$0xFFFFFE50] =	vst v11;
	v7 =	vmul.f32 v10, v7;
	v10 =	vld [tilespmem:s10+$0xFFFFFEC0]  }
0x104: {  	[tilespmem:s10+$0xFFFFFE60] =	vst v9;
	v9 =	vmul.f32 v12, v6;
	v11 =	vld [tilespmem:s10+$0xFFFFFED0]  }
0x105: {  	[tilespmem:s10+$0xFFFFFE70] =	vst v7;
	v7 =	vmul.f32 v13, v6;
	v12 =	vld [tilespmem:s10+$0xFFFFFEE0]  }
0x106: {  	[tilespmem:s10+$0xFFFFFE80] =	vst v9;
	v9 =	vmul.f32 v14, v6;
	v13 =	vld [tilespmem:s10+$0xFFFFFEF0]  }
0x107: {  	[tilespmem:s10+$0xFFFFFE90] =	vst v7;
	v7 =	vmul.f32 v15, v6;
	v14 =	vld [tilespmem:s10+$0xFFFFFF00]  }
0x108: {  	[tilespmem:s10+$0xFFFFFEA0] =	vst v9;
	v9 =	vmul.f32 v10, v6;
	v10 =	vld [tilespmem:s10+$0xFFFFFF10]  }
0x109: {  	[tilespmem:s10+$0xFFFFFEB0] =	vst v7;
	v7 =	vmul.f32 v11, v6;
	v11 =	vld [tilespmem:s10+$0xFFFFFF20]  }
0x10a: {  	[tilespmem:s10+$0xFFFFFEC0] =	vst v9;
	v9 =	vmul.f32 v12, v6;
	v12 =	vld [tilespmem:s10+$0xFFFFFF30]  }
0x10b: {  	[tilespmem:s10+$0xFFFFFED0] =	vst v7;
	v6 =	vmul.f32 v13, v6;
	v7 =	vld [tilespmem:s10+$0xFFFFFF40]  }
0x10c: {  	[tilespmem:s10+$0xFFFFFEE0] =	vst v9;
	v9 =	vmul.f32 v14, v8;
	v13 =	vld [tilespmem:s10+$0xFFFFFF50]  }
0x10d: {  	[tilespmem:s10+$0xFFFFFEF0] =	vst v6;
	v6 =	vmul.f32 v10, v8;
	v10 =	vld [tilespmem:s10+$0xFFFFFF60]  }
0x10e: {  	[tilespmem:s10+$0xFFFFFF00] =	vst v9;
	v9 =	vmul.f32 v11, v8;
	v11 =	vld [tilespmem:s10+$0xFFFFFF70]  }
0x10f: {  	[tilespmem:s10+$0xFFFFFF10] =	vst v6;
	v6 =	vmul.f32 v12, v8;
	v12 =	vld [tilespmem:s10+$0xFFFFFF80]  }
0x110: {  	[tilespmem:s10+$0xFFFFFF20] =	vst v9;
	v7 =	vmul.f32 v7, v8;
	v9 =	vld [tilespmem:s10+$0xFFFFFF90]  }
0x111: {  	[tilespmem:s10+$0xFFFFFF30] =	vst v6;
	v6 =	vmul.f32 v13, v8;
	v13 =	vld [tilespmem:s10+$0xFFFFFFA0]  }
0x112: {  	[tilespmem:s10+$0xFFFFFF40] =	vst v7;
	v7 =	vmul.f32 v10, v8;
	v10 =	vld [tilespmem:s10+$0xFFFFFFB0]  }
0x113: {  	[tilespmem:s10+$0xFFFFFF50] =	vst v6;
	v6 =	vmul.f32 v11, v8;
	v8 =	vld [tilespmem:s10+$0xFFFFFFC0]  }
0x114: {  	[tilespmem:s10+$0xFFFFFF60] =	vst v7;
	v7 =	vmul.f32 v12, v5;
	v11 =	vld [tilespmem:s10+$0xFFFFFFD0]  }
0x115: {  	[tilespmem:s10+$0xFFFFFF70] =	vst v6;
	v6 =	vmul.f32 v9, v5;
	v9 =	vld [tilespmem:s10+$0xFFFFFFE0]  }
0x116: {  	[tilespmem:s10+$0xFFFFFF80] =	vst v7;
	v7 =	vmul.f32 v13, v5;
	v12 =	vld [tilespmem:s10+$0xFFFFFFF0]  }
0x117: {  	[tilespmem:s10+$0xFFFFFF90] =	vst v6;
	v6 =	vmul.f32 v10, v5;
	v10 =	vld [tilespmem:s10+$0x0]  }
0x118: {  	[tilespmem:s10+$0xFFFFFFA0] =	vst v7;
	v7 =	vmul.f32 v8, v5;
	v8 =	vld [tilespmem:s10+$0x10]  }
0x119: {  	[tilespmem:s10+$0xFFFFFFB0] =	vst v6;
	v6 =	vmul.f32 v11, v5;
	v11 =	vld [tilespmem:s10+$0x20]  }
0x11a: {  	[tilespmem:s10+$0xFFFFFFC0] =	vst v7;
	v7 =	vmul.f32 v9, v5;
	v9 =	vld [tilespmem:s10+$0x30]  }
0x11b: {  	[tilespmem:s10+$0xFFFFFFD0] =	vst v6;
	v5 =	vmul.f32 v12, v5;
	v6 =	vld [tilespmem:s10+$0x40]  }
0x11c: {  	[tilespmem:s10+$0xFFFFFFE0] =	vst v7;
	v7 =	vmul.f32 v10, v4;
	v10 =	vld [tilespmem:s10+$0x50]  }
0x11d: {  	[tilespmem:s10+$0xFFFFFFF0] =	vst v5;
	v5 =	vmul.f32 v8, v4;
	v8 =	vld [tilespmem:s10+$0x60]  }
0x11e: {  	[tilespmem:s10+$0x0] =	vst v7;
	v7 =	vmul.f32 v11, v4;
	v11 =	vld [tilespmem:s10+$0x70]  }
0x11f: {  	[tilespmem:s10+$0x10] =	vst v5;
	v5 =	vmul.f32 v9, v4;
	v9 =	vld [tilespmem:s10+$0x80]  }
0x120: {  	[tilespmem:s10+$0x20] =	vst v7;
	v6 =	vmul.f32 v6, v4;
	v7 =	vld [tilespmem:s10+$0x90]  }
0x121: {  	[tilespmem:s10+$0x30] =	vst v5;
	v5 =	vmul.f32 v10, v4;
	v10 =	vld [tilespmem:s10+$0xA0]  }
0x122: {  	[tilespmem:s10+$0x40] =	vst v6;
	v6 =	vmul.f32 v8, v4;
	v8 =	vld [tilespmem:s10+$0xB0]  }
0x123: {  	[tilespmem:s10+$0x50] =	vst v5;
	v4 =	vmul.f32 v11, v4;
	v5 =	vld [tilespmem:s10+$0xC0]  }
0x124: {  	[tilespmem:s10+$0x60] =	vst v6;
	v6 =	vmul.f32 v9, v3;
	v9 =	vld [tilespmem:s10+$0xD0]  }
0x125: {  	[tilespmem:s10+$0x70] =	vst v4;
	v4 =	vmul.f32 v7, v3;
	v7 =	vld [tilespmem:s10+$0xE0]  }
0x126: {  	[tilespmem:s10+$0x80] =	vst v6;
	v6 =	vmul.f32 v10, v3;
	v10 =	vld [tilespmem:s10+$0xF0]  }
0x127: {  	[tilespmem:s10+$0x90] =	vst v4;
	v4 =	vmul.f32 v8, v3;
	v8 =	vld [tilespmem:s10+$0x100]  }
0x128: {  	[tilespmem:s10+$0xA0] =	vst v6;
	v5 =	vmul.f32 v5, v3;
	v6 =	vld [tilespmem:s10+$0x110]  }
0x129: {  	[tilespmem:s10+$0xB0] =	vst v4;
	v4 =	vmul.f32 v9, v3;
	v9 =	vld [tilespmem:s10+$0x120]  }
0x12a: {  	[tilespmem:s10+$0xC0] =	vst v5;
	v5 =	vmul.f32 v7, v3;
	v7 =	vld [tilespmem:s10+$0x130]  }
0x12b: {  	[tilespmem:s10+$0xD0] =	vst v4;
	v4 =	vmul.f32 v10, v3;
	v10 =	vld [tilespmem:s10+$0x140]  }
0x12c: {  	s17 =	sadd.s32 $0x7, s16;
	v3 =	vmov s16;
	[tilespmem:s10+$0xE0] =	vst v5;
	v5 =	vmul.f32 v8, v2;
	v8 =	vld [tilespmem:s10+$0x150]  }
0x12d: {  	s18 =	sadd.s32 $0x1, s16;
	s19 =	sadd.s32 $0x2, s16;
	v11 =	vand.u32 $0xFFFFFFF8, v3;
	v3 =	vmov s17;
	[tilespmem:s10+$0xF0] =	vst v4;
	v4 =	vmul.f32 v6, v2;
	v12 =	vld [tilespmem:s10+$0x160]  }
0x12e: {  	v14 =	vmov s19;
	v13 =	vmov s18;
	s18 =	sadd.s32 $0x4, s16;
	s17 =	sadd.s32 $0x3, s16;
	[tilespmem:s10+$0x100] =	vst v5;
	v5 =	vmul.f32 v9, v2;
	v9 =	vld [tilespmem:s10+$0x180]  }
0x12f: {  	v16 =	vmov s18;
	v15 =	vmov s17;
	s17 =	sadd.s32 $0x5, s16;
	[tilespmem:s10+$0x110] =	vst v4;
	v7 =	vmul.f32 v7, v2;
	v17 =	vld [tilespmem:s10+$0x190]  }
.Ltmp0:
0x130: {  	v4 =	vbroadcast v11, $0x0;
	v11 =	vmov s17;
	[tilespmem:s10+$0x120] =	vst v5;
	v10 =	vmul.f32 v10, v2;
	v6 =	vld [tilespmem:s10+$0x1A0];
	(pc) =	sbr.rel @p5 .LBB2_3-.Ltmp0, $4  }
0x131: {  	v5 =	vand.u32 $0xFFFFFFF9, v13;
	v13 =	vand.u32 $0xFFFFFFFA, v14;
	[tilespmem:s10+$0x130] =	vst v7;
	v14 =	vmul.f32 v8, v2;
	v7 =	vld [tilespmem:s10+$0x1B0]  }
0x132: {  	v15 =	vand.u32 $0xFFFFFFFB, v15;
	v5 =	vbroadcast v5, $0x0;
	[tilespmem:s10+$0x140] =	vst v10;
	v18 =	vmul.f32 v12, v2;
	v8 =	vld [tilespmem:s10+$0x1C0]  }
0x133: {  	v10 =	vbroadcast v13, $0x0;
	v2 =	vand.u32 $0xFFFFFFFC, v16;
	[tilespmem:s10+$0x150] =	vst v14;
	v14 =	vmul.f32 v9, v1;
	v9 =	vld [tilespmem:s10+$0x1D0]  }
0x134: {  	s17 =	sadd.s32 $0x6, s16;
	s16 =	sadd.s32 $0x8, s16;
	v12 =	vbroadcast v15, $0x0;
	v15 =	vand.u32 $0xFFFFFFFD, v11;
	[tilespmem:s10+$0x160] =	vst v18;
	v13 =	vmul.f32 v17, v1;
	v11 =	vld [tilespmem:s10+$0x1E0]  }
0x135: {  	_ =	sdelay $0x2  }
0x136: {  	v16 =	vld [tilespmem:s10+$0x1F0]  }
0x137: {  	v18 =	vld.idx.msk [tilespmem:v4+s12+$0x0], $0xffff  }
0x138: {  	v23 =	vld.idx.msk [tilespmem:v5+s12+$0x0], $0xffff  }
0x139: {  	v22 =	vbroadcast v2, $0x0;
	v2 =	vmov s17;
	v10 =	vld.idx.msk [tilespmem:v10+s12+$0x0], $0xffff  }
0x13a: {  	v17 =	vand.u32 $0xFFFFFFFE, v2;
	v2 =	vld.idx.msk [tilespmem:v3+s12+$0x0], $0xffff  }
0x13b: {  	s19 =	sadd.s32 $0x400, s10;
	v12 =	vld.idx.msk [tilespmem:v12+s12+$0x0], $0xffff  }
0x13c: {  	v24 =	vld [tilespmem:s19+$0x170]  }
0x13d: {  	v26 =	vld [tilespmem:s19+$0xFFFFFE00]  }
0x13e: {  	v28 =	vld [tilespmem:s19+$0xFFFFFE10]  }
0x13f: {  	[tilespmem:s10+$0x180] =	vst v14;
	v6 =	vmul.f32 v6, v1;
	v30 =	vld [tilespmem:s19+$0xFFFFFE20]  }
0x140: {  	[tilespmem:s10+$0x190] =	vst v13;
	v7 =	vmul.f32 v7, v1;
	v31 =	vld [tilespmem:s19+$0xFFFFFE30]  }
0x141: {  	v32 =	vld [tilespmem:s19+$0xFFFFFE40];
	[tilespmem:s10+$0x1A0] =	vst v6;
	v25 =	vmul.f32 v8, v1  }
0x142: {  	v33 =	vld [tilespmem:s19+$0xFFFFFE50];
	[tilespmem:s10+$0x1B0] =	vst v7;
	v27 =	vmul.f32 v9, v1  }
0x143: {  	v34 =	vld [tilespmem:s19+$0xFFFFFE60];
	[tilespmem:s10+$0x1C0] =	vst v25;
	v29 =	vmul.f32 v11, v1  }
0x144: {  	v35 =	vld [tilespmem:s19+$0xFFFFFE70];
	[tilespmem:s10+$0x1D0] =	vst v27;
	v1 =	vmul.f32 v16, v1  }
0x145: {  	v36 =	vld [tilespmem:s19+$0xFFFFFE80];
	[tilespmem:s10+$0x1E0] =	vst v29;
	v9 =	vmul.f32 v28, v18  }
0x146: {  	v37 =	vld [tilespmem:s19+$0xFFFFFE90];
	[tilespmem:s10+$0x1F0] =	vst v1;
	v1 =	vmul.f32 v26, v18  }
0x147: {  	v39 =	vld [tilespmem:s19+$0xFFFFFEA0];
	v7 =	vmul.f32 v31, v18;
	[tilespmem:s19+$0xFFFFFE10] =	vst v9  }
0x148: {  	v40 =	vld [tilespmem:s19+$0xFFFFFEB0];
	[tilespmem:s19+$0xFFFFFE00] =	vst v1;
	v1 =	vmul.f32 v30, v18  }
0x149: {  	v42 =	vld [tilespmem:s19+$0xFFFFFEC0];
	v38 =	vmul.f32 v33, v18;
	[tilespmem:s19+$0xFFFFFE30] =	vst v7  }
0x14a: {  	v43 =	vld [tilespmem:s19+$0xFFFFFED0];
	[tilespmem:s19+$0xFFFFFE20] =	vst v1;
	v1 =	vmul.f32 v32, v18  }
0x14b: {  	v44 =	vld [tilespmem:s19+$0xFFFFFEE0];
	v41 =	vmul.f32 v35, v18;
	[tilespmem:s19+$0xFFFFFE50] =	vst v38  }
0x14c: {  	v45 =	vld [tilespmem:s19+$0xFFFFFEF0];
	[tilespmem:s19+$0xFFFFFE40] =	vst v1;
	v1 =	vmul.f32 v34, v18  }
0x14d: {  	v47 =	vld [tilespmem:s19+$0xFFFFFF00];
	v6 =	vmul.f32 v37, v23;
	[tilespmem:s19+$0xFFFFFE70] =	vst v41  }
0x14e: {  	v48 =	vld [tilespmem:s19+$0xFFFFFF10];
	[tilespmem:s19+$0xFFFFFE60] =	vst v1;
	v1 =	vmul.f32 v36, v23  }
0x14f: {  	v50 =	vld [tilespmem:s19+$0xFFFFFF20];
	v46 =	vmul.f32 v40, v23;
	[tilespmem:s19+$0xFFFFFE90] =	vst v6  }
0x150: {  	v51 =	vld [tilespmem:s19+$0xFFFFFF30];
	[tilespmem:s19+$0xFFFFFE80] =	vst v1;
	v1 =	vmul.f32 v39, v23  }
0x151: {  	v53 =	vld [tilespmem:s19+$0xFFFFFF40];
	v49 =	vmul.f32 v43, v23;
	[tilespmem:s19+$0xFFFFFEB0] =	vst v46  }
0x152: {  	v54 =	vld [tilespmem:s19+$0xFFFFFF50];
	[tilespmem:s19+$0xFFFFFEA0] =	vst v1;
	v1 =	vmul.f32 v42, v23  }
0x153: {  	v56 =	vld [tilespmem:s19+$0xFFFFFF60];
	v52 =	vmul.f32 v45, v23;
	[tilespmem:s19+$0xFFFFFED0] =	vst v49  }
0x154: {  	v57 =	vld [tilespmem:s19+$0xFFFFFF70];
	[tilespmem:s19+$0xFFFFFEC0] =	vst v1;
	v1 =	vmul.f32 v44, v23  }
0x155: {  	v15 =	vbroadcast v15, $0x0;
	v59 =	vld [tilespmem:s19+$0xFFFFFF80];
	v55 =	vmul.f32 v48, v10;
	[tilespmem:s19+$0xFFFFFEF0] =	vst v52  }
0x156: {  	v60 =	vld [tilespmem:s19+$0xFFFFFF90];
	[tilespmem:s19+$0xFFFFFEE0] =	vst v1;
	v1 =	vmul.f32 v47, v10  }
0x157: {  	v62 =	vld [tilespmem:s19+$0xFFFFFFA0];
	v58 =	vmul.f32 v51, v10;
	[tilespmem:s19+$0xFFFFFF10] =	vst v55  }
0x158: {  	v63 =	vld [tilespmem:s19+$0xFFFFFFB0];
	v3 =	vbroadcast v17, $0x0;
	[tilespmem:s19+$0xFFFFFF00] =	vst v1;
	v1 =	vmul.f32 v50, v10  }
0x159: {  	v19 =	vld [tilespmem:s19+$0xFFFFFFF0];
	v61 =	vmul.f32 v54, v10;
	[tilespmem:s19+$0xFFFFFF30] =	vst v58  }
0x15a: {  	v5 =	vld.idx.msk [tilespmem:v22+s12+$0x0], $0xffff;
	[tilespmem:s19+$0xFFFFFF20] =	vst v1;
	v1 =	vmul.f32 v53, v10  }
0x15b: {  	v4 =	vld.idx.msk [tilespmem:v15+s12+$0x0], $0xffff;
	v14 =	vmul.f32 v57, v10;
	[tilespmem:s19+$0xFFFFFF50] =	vst v61  }
0x15c: {  	v15 =	vld [tilespmem:s19+$0xFFFFFFC0];
	[tilespmem:s19+$0xFFFFFF40] =	vst v1;
	v1 =	vmul.f32 v56, v10  }
0x15d: {  	v17 =	vmul.f32 v60, v12;
	v22 =	vld [tilespmem:s19+$0x10];
	[tilespmem:s19+$0xFFFFFF70] =	vst v14  }
0x15e: {  	v3 =	vld.idx.msk [tilespmem:v3+s12+$0x0], $0xffff;
	[tilespmem:s19+$0xFFFFFF60] =	vst v1;
	v1 =	vmul.f32 v59, v12  }
0x15f: {  	v20 =	vmul.f32 v63, v12;
	[tilespmem:s19+$0xFFFFFF90] =	vst v17;
	v18 =	vld [tilespmem:s19+$0xFFFFFFE0]  }
0x160: {  	v25 =	vld [tilespmem:s19+$0x30];
	[tilespmem:s19+$0xFFFFFF80] =	vst v1;
	v1 =	vmul.f32 v62, v12  }
0x161: {  	v21 =	vld [tilespmem:s19+$0x0];
	v26 =	vmul.f32 v19, v12;
	[tilespmem:s19+$0xFFFFFFB0] =	vst v20  }
0x162: {  	v28 =	vld [tilespmem:s19+$0x50];
	[tilespmem:s19+$0xFFFFFFA0] =	vst v1;
	v1 =	vmul.f32 v15, v12  }
0x163: {  	[tilespmem:s19+$0xFFFFFFF0] =	vst v26;
	v29 =	vmul.f32 v22, v5;
	v13 =	vmul.f32 v24, v3;
	v24 =	vld [tilespmem:s19+$0x20]  }
0x164: {  	v37 =	vld [tilespmem:s19+$0xB0];
	[tilespmem:s19+$0xFFFFFFC0] =	vst v1;
	v1 =	vmul.f32 v18, v12  }
0x165: {  	v27 =	vld [tilespmem:s19+$0x40];
	v32 =	vmul.f32 v25, v5;
	[tilespmem:s19+$0x10] =	vst v29  }
0x166: {  	[tilespmem:s19+$0xFFFFFFE0] =	vst v1;
	v1 =	vmul.f32 v21, v5  }
0x167: {  	v30 =	vld [tilespmem:s19+$0x60];
	v35 =	vmul.f32 v28, v5;
	[tilespmem:s19+$0x30] =	vst v32  }
0x168: {  	v45 =	vld [tilespmem:s19+$0x110];
	[tilespmem:s19+$0x0] =	vst v1;
	v1 =	vmul.f32 v24, v5  }
0x169: {  	v33 =	vld [tilespmem:s19+$0x80];
	v43 =	vmul.f32 v37, v4;
	[tilespmem:s19+$0x50] =	vst v35  }
0x16a: {  	v48 =	vld [tilespmem:s19+$0x130];
	[tilespmem:s19+$0x20] =	vst v1;
	v1 =	vmul.f32 v27, v5  }
0x16b: {  	[tilespmem:s19+$0xB0] =	vst v43;
	v36 =	vld [tilespmem:s19+$0xA0]  }
0x16c: {  	v34 =	vld [tilespmem:s19+$0x90];
	[tilespmem:s19+$0x40] =	vst v1;
	v1 =	vmul.f32 v30, v5  }
0x16d: {  	v38 =	vld [tilespmem:s19+$0xC0];
	v51 =	vmul.f32 v45, v3;
	[tilespmem:s19+$0x170] =	vst v13  }
0x16e: {  	v16 =	vld [tilespmem:s19+$0xFFFFFFD0];
	[tilespmem:s19+$0x60] =	vst v1;
	v1 =	vmul.f32 v33, v4  }
0x16f: {  	v41 =	vld [tilespmem:s19+$0xE0];
	v54 =	vmul.f32 v48, v3;
	[tilespmem:s19+$0x110] =	vst v51  }
0x170: {  	v39 =	vld [tilespmem:s19+$0xD0];
	[tilespmem:s19+$0x80] =	vst v1;
	v1 =	vmul.f32 v36, v4  }
0x171: {  	[tilespmem:s19+$0x130] =	vst v54;
	v40 =	vmul.f32 v34, v4;
	v44 =	vld [tilespmem:s19+$0x100]  }
0x172: {  	v50 =	vld [tilespmem:s19+$0x150];
	[tilespmem:s19+$0xA0] =	vst v1;
	v1 =	vmul.f32 v38, v4  }
0x173: {  	[tilespmem:s19+$0x90] =	vst v40;
	v23 =	vmul.f32 v16, v12;
	v47 =	vld [tilespmem:s19+$0x120]  }
0x174: {  	v53 =	vld [tilespmem:s19+$0x180];
	[tilespmem:s19+$0xC0] =	vst v1;
	v1 =	vmul.f32 v41, v4  }
0x175: {  	v49 =	vld [tilespmem:s19+$0x140];
	v46 =	vmul.f32 v39, v4;
	[tilespmem:s19+$0xFFFFFFD0] =	vst v23  }
0x176: {  	v56 =	vld [tilespmem:s19+$0x1A0];
	[tilespmem:s19+$0xE0] =	vst v1;
	v1 =	vmul.f32 v44, v3  }
0x177: {  	v52 =	vld [tilespmem:s19+$0x160];
	[tilespmem:s19+$0xD0] =	vst v46;
	v57 =	vmul.f32 v50, v3  }
0x178: {  	v31 =	vld [tilespmem:s19+$0x70];
	[tilespmem:s19+$0x100] =	vst v1;
	v1 =	vmul.f32 v47, v3  }
0x179: {  	v55 =	vld [tilespmem:s19+$0x190];
	[tilespmem:s19+$0x150] =	vst v57;
	v59 =	vmul.f32 v53, v2  }
0x17a: {  	v42 =	vld [tilespmem:s19+$0xF0];
	[tilespmem:s19+$0x120] =	vst v1;
	v1 =	vmul.f32 v49, v3  }
0x17b: {  	v58 =	vld [tilespmem:s19+$0x1B0];
	[tilespmem:s19+$0x180] =	vst v59;
	v62 =	vmul.f32 v56, v2  }
0x17c: {  	[tilespmem:s19+$0x140] =	vst v1;
	v1 =	vmul.f32 v52, v3;
	v3 =	vld [tilespmem:s19+$0x1C0]  }
0x17d: {  	v60 =	vld [tilespmem:s19+$0x1D0];
	[tilespmem:s19+$0x1A0] =	vst v62;
	v5 =	vmul.f32 v31, v5  }
0x17e: {  	v61 =	vld [tilespmem:s19+$0x1E0];
	[tilespmem:s19+$0x160] =	vst v1;
	v1 =	vmul.f32 v55, v2  }
0x17f: {  	v63 =	vld [tilespmem:s19+$0x1F0];
	[tilespmem:s19+$0x70] =	vst v5;
	v4 =	vmul.f32 v42, v4  }
0x180: {  	[tilespmem:s19+$0x190] =	vst v1;
	v1 =	vmul.f32 v58, v2  }
0x181: {  	[tilespmem:s19+$0xF0] =	vst v4;
	v3 =	vmul.f32 v3, v2  }
0x182: {  	p5 =	sne.s32 s7, $0x7D;
	[tilespmem:s19+$0x1B0] =	vst v1;
	v1 =	vmul.f32 v60, v2  }
.Ltmp1:
0x183: {  	[tilespmem:s19+$0x1C0] =	vst v3;
	v3 =	vmul.f32 v61, v2;
	(pc) =	sbr.rel @p5 .LBB2_2-.Ltmp1, $4  }
0x184: {  	[tilespmem:s19+$0x1D0] =	vst v1;
	v1 =	vmul.f32 v63, v2  }
0x185: {  	[tilespmem:s19+$0x1E0] =	vst v3  }
0x186: {  	s9 =	sadd.s32 $0x3, s9;
	p4 =	por !p4, !p4;
	s12 =	smov.u32 s7;
	[tilespmem:s19+$0x1F0] =	vst v1  }
0x187: {  	[spmem:s2] =	stream.indirect.scatter.add.f32 [tilespmem:s26], [sflag:s9], $0x80, s14, s29, $0xb8;
	[tilespmem:$0x1E078] =	vst v63  }
0x188: {  	_ =	swait.ge [sflag:s25], $0x2800  }
0x189: {  	[sflag:s25] =	ssyncset.done $0x0  }
0x18a: {  	[sflag:s25] =	ssyncadd.s32 $0xFFFFD800  }
0x18b: {  	_ =	swait.ge [sflag:s28], $0x50  }
0x18c: {  	[sflag:s28] =	ssyncset.done $0x0  }
0x18d: {  	[sflag:s28] =	ssyncadd.s32 $0xFFFFFFB0  }
0x18e: {  	_ =	swait.ge [sflag:s30], $0x50  }
0x18f: {  	[sflag:s30] =	ssyncset.done $0x0  }
0x190: {  	[sflag:s30] =	ssyncadd.s32 $0xFFFFFFB0  }
0x191: {  	[bflag:$0x0] =	sbarrier.arrive $0xFFFF  }
0x192: {  	s7 =	rddreg [dreg:$0xe]  }
0x193: {  	[hbm:s7], [sflag:s0] =	dma.local @!p0 [spmem:s6], $0x3E80  }
0x194: {  	s9 =	simm.s32 @p3 $0x20;
	s31 =	sadd.s32 $0x1, s31;
	s0 =	simm.s32 @!p0 $0xA  }
0x195: {  	s10 =	simm.s32 @p3 $0x10;
	p4 =	sne.s32 s31, s21;
	_ =	swait.ge @!p0 [sflag:s0], $0x3E80  }
0x196: {  	s6 =	sshll.u32 @p3 s4, $0x6;
	s7 =	simm.s32 @p3 $0x1;
	[sflag:s0] =	ssyncset.done @!p0 $0x0  }
0x197: {  	[sflag:s0] =	ssyncadd.s32 @!p0 $0xFFFFC180;
	s0 =	sor.u32 @p3 $0x1C0A, s6;
	s6 =	sshrl.u32 @p3 s3, $0x3  }
0x198: {  	[hbm:s20@s9], [sflag:s0] =	dma.strided @p3 [spmem:s6@s10], $0x4F0, s7, $0x10   }
.Ltmp2:
0x199: {  	_ = 	snop;
	(pc) =	sbr.rel @p4 .LBB2_1-.Ltmp2, $4  }
0x19a: {  	s0 =	simm.s32 @p3 $0xA  }
0x19b: {  	_ =	swait.ge @p3 [sflag:s0], $0x4F0  }
0x19c: {  	[sflag:s0] =	ssyncset.done @p3 $0x0  }
0x19d: {  	[sflag:s0] =	ssyncadd.s32 @p3 $0xFFFFFB10  }
0x19e: {  	_ =	sfence.sel $0x180000  }
0x19f: {  	[bflag:$0x0] =	sbarrier.arrive $0xFFFF  }
0x1a0: {  	_ =	strace $0x90000047  }
0x1a1: {  	[bflag:$0x2] =	sbarrier.arrive $0xFFFF  }
0x1a2: {  	p0 =	sne.s32 s4, $0x0;
	s0 =	rddreg [dreg:$0x4]  }
0x1a3: {  	s0 =	sadd.s32 @!p0 $0x100000, s0  }
0x1a4: {  	[sflag:s0] =	ssyncadd.tile.s32 @!p0 $0x1;
	_ =	shalt  }
.Lfunc_end2:
_tile_overlayer_lowered:
.L_overlay_start_2:
0x1a5: {  	(tag) =	ssettag $0x2  }
0x1a6: {  	s0 =	rddreg [dreg:$0x0];
	s2 =	stileid.u32  }
0x1a7: {  	s1 =	rddreg [dreg:$0x1];
	p0 =	sne.s32 s2, $0x0  }
0x1a8: {  	s3 =	rddreg [dreg:$0x2];
	[bflag:$0x3] =	sbarrier.arrive $0xFFFF;
	s2 =	simm.s32 @!p0 $0x1C0A  }
0x1a9: {  	[timem:s3], [sflag:s2] =	dma.local @!p0 [hbm:s0], s1  }
0x1aa: {  	s0 =	simm.s32 @!p0 $0xA  }
0x1ab: {  	_ =	swait.ge @!p0 [sflag:s0], s1  }
0x1ac: {  	s1 =	ssub.s32 @!p0 $0x0, s1;
	[sflag:s0] =	ssyncset.done @!p0 $0x0  }
0x1ad: {  	[sflag:s0] =	ssyncadd.s32 @!p0 s1  }
0x1ae: {  	[bflag:$0x3] =	sbarrier.arrive $0xFFFF  }
0x1af: {  	_ =	shalt  }

</sc_bundles>
